<compile_context>
chip_gen: v7x
topology: tpu7x:2x2x1
jax: 0.10.2.dev20260603
libtpu: 0.0.44.dev20260713+nightly
codegen_flags: <defaults>
</compile_context>

<pallas_src>
import functools

import jax
import jax.numpy as jnp
from jax import lax
from jax.experimental import pallas as pl
from jax.experimental.pallas import tpu as pltpu
from jax.experimental.pallas import tpu_sc as plsc

VOCAB = 100000
D_MODEL = 64

_NC = 2
_NS = 16
_NW = _NC * _NS

_B = 4096 * 200
_B_PER_W = _B // _NW
_CHUNK = 256
_N_CHUNK = _B_PER_W // _CHUNK
_NBUF = 4
_N_OUTER = _N_CHUNK // _NBUF


def _emb_body(idx_hbm, table_hbm, out_hbm, idx_v, rows_v, gsem, osem):
    wid = lax.axis_index("s") * _NC + lax.axis_index("c")
    base = wid * _B_PER_W

    def start_gather(c, b):
        off = base + c * _CHUNK
        pltpu.sync_copy(idx_hbm.at[pl.ds(off, _CHUNK)], idx_v.at[b])
        pltpu.async_copy(table_hbm.at[idx_v.at[b]], rows_v.at[b], gsem.at[b])

    def wait_gather(b):
        pltpu.make_async_copy(
            table_hbm.at[idx_v.at[b]], rows_v.at[b], gsem.at[b]).wait()

    def start_store(c, b):
        off = base + c * _CHUNK
        pltpu.async_copy(rows_v.at[b], out_hbm.at[pl.ds(off, _CHUNK)],
                         osem.at[b])

    def wait_store(c, b):
        off = base + c * _CHUNK
        pltpu.make_async_copy(
            rows_v.at[b], out_hbm.at[pl.ds(off, _CHUNK)], osem.at[b]).wait()

    for b in range(_NBUF):
        start_gather(b, b)

    def outer(o, carry):
        c0 = o * _NBUF
        for b in range(_NBUF):
            wait_gather(b)
            start_store(c0 + b, b)
        for b in range(_NBUF):
            wait_store(c0 + b, b)
            start_gather(c0 + b + _NBUF, b)
        return carry

    lax.fori_loop(0, _N_OUTER - 1, outer, 0)

    c0 = (_N_OUTER - 1) * _NBUF
    for b in range(_NBUF):
        wait_gather(b)
        start_store(c0 + b, b)
    for b in range(_NBUF):
        wait_store(c0 + b, b)


_emb = functools.partial(
    pl.kernel,
    out_type=jax.ShapeDtypeStruct((_B, D_MODEL), jnp.float32),
    mesh=plsc.VectorSubcoreMesh(core_axis_name="c", subcore_axis_name="s"),
    scratch_types=[
        pltpu.VMEM((_NBUF, _CHUNK), jnp.int32),
        pltpu.VMEM((_NBUF, _CHUNK, D_MODEL), jnp.float32),
        pltpu.SemaphoreType.DMA((_NBUF,)),
        pltpu.SemaphoreType.DMA((_NBUF,)),
    ],
    compiler_params=pltpu.CompilerParams(use_tc_tiling_on_sc=False),
)(_emb_body)


def kernel(sequence, lookup):
    idx = sequence.reshape(-1).astype(jnp.int32)
    out = _emb(idx, lookup)
    return out.reshape(sequence.shape + (D_MODEL,))

# --- scband reference (transcript-rebuilt; emitter-appended) ---
"""Pipeline reference for scband-embedding-31516470018738 (READ-ONLY COPY).

The authoritative reference and input builder live on the scoring server;
editing this copy changes nothing except your own understanding.
"""

import jax, jax.numpy as jnp
import numpy as np

VOCAB = 100000
D_MODEL = 64

def setup_inputs(seed: int = 0) -> dict:
    key = jax.random.key(seed)
    k1, k2 = jax.random.split(key)
    sequence = jax.random.randint(k1, (4096, 200), 0, VOCAB, dtype=jnp.int64)
    # learned embedding table (original uses torch.rand -> uniform [0,1))
    lookup = jax.random.uniform(k2, (VOCAB, D_MODEL), dtype=jnp.float32)
    return {"sequence": sequence, "lookup": lookup}

def reference(sequence, lookup):
    # Faithful translation of forward: self.lookup[sequence]
    return jnp.take(lookup, sequence, axis=0)

if __name__ == "__main__":
    import jax
    _d = setup_inputs()
    print(jax.jit(kernel)(*tuple(_d.values())))

</pallas_src>

<mosaic_0001>
#map = affine_map<(d0, d1) -> (0)>
#map1 = affine_map<(d0, d1) -> (0, 0)>
module attributes {stable_mosaic.version = 14 : i64} {
  func.func @_emb_body(%arg0: i32, %arg1: i32, %arg2: memref<819200xi32, #tpu.memory_space<hbm>>, %arg3: memref<100000x64xf32, #tpu.memory_space<hbm>>, %arg4: memref<819200x64xf32, #tpu.memory_space<hbm>>, %arg5: memref<4x256xi32, #tpu.memory_space<vmem>>, %arg6: memref<4x256x64xf32, #tpu.memory_space<vmem>>, %arg7: memref<4x!tpu.dma_semaphore, #tpu.memory_space<semaphore_mem>>, %arg8: memref<4x!tpu.dma_semaphore, #tpu.memory_space<semaphore_mem>>) attributes {dimension_semantics = [#tpu.dimension_semantics<core_parallel>, #tpu.dimension_semantics<subcore_parallel>], iteration_bounds = array<i64: 2, 16>, scalar_prefetch = 0 : i64, scratch_operands = 4 : i64, tpu.core_type = #tpu.core_type<sc_vector_subcore>, window_params = [{transform_indices = #map}, {transform_indices = #map1}, {transform_indices = #map1}]} {
    %mul3A = arith.constant 2 : i32
    %mul3A_0 = arith.muli %arg1, %mul3A : i32
    %add3A = arith.addi %mul3A_0, %arg0 : i32
    %mul3A_1 = arith.constant 25600 : i32
    %mul3A_2 = arith.muli %add3A, %mul3A_1 : i32
    %add3A_3 = arith.constant 0 : i32
    %add3A_4 = arith.addi %mul3A_2, %add3A_3 : i32
    %run_scoped3A = arith.constant 0 : i32
    "tpu.region"() ({
      %run_scoped3A_281 = tpu.sem_alloc : memref<!tpu.dma_semaphore, #tpu.memory_space<semaphore_mem>>
      %dma_start3A_282 = arith.constant 0 : i32
      %dma_start3A_283 = tpu.memref_slice %arg5[%run_scoped3A, %dma_start3A_282] : memref<4x256xi32, #tpu.memory_space<vmem>> -> memref<1x256xi32, #tpu.memory_space<vmem>>
      %dma_start3A_284 = tpu.memref_squeeze %dma_start3A_283 : memref<1x256xi32, #tpu.memory_space<vmem>> -> memref<256xi32, #tpu.memory_space<vmem>>
      %dma_start3A_285 = tpu.memref_slice %arg2[%add3A_4] : memref<819200xi32, #tpu.memory_space<hbm>> -> memref<256xi32, #tpu.memory_space<hbm>>
      %dma_start3A_286 = arith.constant 0 : i32
      %dma_start3A_287 = tpu.memref_slice %arg5[%run_scoped3A, %dma_start3A_286] : memref<4x256xi32, #tpu.memory_space<vmem>> -> memref<1x256xi32, #tpu.memory_space<vmem>>
      %dma_start3A_288 = tpu.memref_squeeze %dma_start3A_287 : memref<1x256xi32, #tpu.memory_space<vmem>> -> memref<256xi32, #tpu.memory_space<vmem>>
      %dma_start3A_289 = tpu.memref_slice %arg2[%add3A_4] : memref<819200xi32, #tpu.memory_space<hbm>> -> memref<256xi32, #tpu.memory_space<hbm>>
      tpu.enqueue_dma source(%dma_start3A_289 : memref<256xi32, #tpu.memory_space<hbm>>) target(%dma_start3A_288 : memref<256xi32, #tpu.memory_space<vmem>>) target_semaphore(%run_scoped3A_281 : memref<!tpu.dma_semaphore, #tpu.memory_space<semaphore_mem>>)
      %dma_wait3A_290 = arith.constant 0 : i32
      %dma_wait3A_291 = tpu.memref_slice %arg5[%run_scoped3A, %dma_wait3A_290] : memref<4x256xi32, #tpu.memory_space<vmem>> -> memref<1x256xi32, #tpu.memory_space<vmem>>
      %dma_wait3A_292 = tpu.memref_squeeze %dma_wait3A_291 : memref<1x256xi32, #tpu.memory_space<vmem>> -> memref<256xi32, #tpu.memory_space<vmem>>
      %dma_wait3A_293 = tpu.memref_slice %arg2[%add3A_4] : memref<819200xi32, #tpu.memory_space<hbm>> -> memref<256xi32, #tpu.memory_space<hbm>>
      %dma_wait3A_294 = arith.constant 0 : i32
      %dma_wait3A_295 = tpu.memref_slice %arg5[%run_scoped3A, %dma_wait3A_294] : memref<4x256xi32, #tpu.memory_space<vmem>> -> memref<1x256xi32, #tpu.memory_space<vmem>>
      %dma_wait3A_296 = tpu.memref_squeeze %dma_wait3A_295 : memref<1x256xi32, #tpu.memory_space<vmem>> -> memref<256xi32, #tpu.memory_space<vmem>>
      %dma_wait3A_297 = tpu.memref_slice %arg2[%add3A_4] : memref<819200xi32, #tpu.memory_space<hbm>> -> memref<256xi32, #tpu.memory_space<hbm>>
      tpu.wait_dma2 semaphore(%run_scoped3A_281 : memref<!tpu.dma_semaphore, #tpu.memory_space<semaphore_mem>>) src(%dma_wait3A_297 : memref<256xi32, #tpu.memory_space<hbm>>) dst(%dma_wait3A_296 : memref<256xi32, #tpu.memory_space<vmem>>)
      tpu.yield
    }) : () -> ()
    %dma_start3A = arith.constant 0 : i32
    %dma_start3A_5 = arith.constant 0 : i32
    %dma_start3A_6 = arith.constant 0 : i32
    %dma_start3A_7 = arith.constant 0 : i32
    %dma_start3A_8 = arith.constant 0 : i32
    %dma_start3A_9 = tpu.memref_slice %arg6[%dma_start3A_5, %dma_start3A_7, %dma_start3A_8] : memref<4x256x64xf32, #tpu.memory_space<vmem>> -> memref<1x256x64xf32, #tpu.memory_space<vmem>>
    %dma_start3A_10 = tpu.memref_squeeze %dma_start3A_9 : memref<1x256x64xf32, #tpu.memory_space<vmem>> -> memref<256x64xf32, #tpu.memory_space<vmem>>
    %dma_start3A_11 = arith.constant 0 : i32
    %dma_start3A_12 = tpu.memref_slice %arg5[%dma_start3A, %dma_start3A_11] : memref<4x256xi32, #tpu.memory_space<vmem>> -> memref<1x256xi32, #tpu.memory_space<vmem>>
    %dma_start3A_13 = tpu.memref_squeeze %dma_start3A_12 : memref<1x256xi32, #tpu.memory_space<vmem>> -> memref<256xi32, #tpu.memory_space<vmem>>
    %dma_start3A_14 = arith.constant 0 : i32
    %dma_start3A_15 = arith.constant 0 : i32
    %dma_start3A_16 = tpu.memref_slice %arg3[%dma_start3A_14, %dma_start3A_15] : memref<100000x64xf32, #tpu.memory_space<hbm>> -> memref<100000x64xf32, #tpu.memory_space<hbm>>
    %dma_start3A_17 = tpu.memref_slice %arg7[%dma_start3A_6] : memref<4x!tpu.dma_semaphore, #tpu.memory_space<semaphore_mem>> -> memref<1x!tpu.dma_semaphore, #tpu.memory_space<semaphore_mem>>
    %dma_start3A_18 = tpu.memref_squeeze %dma_start3A_17 : memref<1x!tpu.dma_semaphore, #tpu.memory_space<semaphore_mem>> -> memref<!tpu.dma_semaphore, #tpu.memory_space<semaphore_mem>>
    tpu.enqueue_indirect_dma source(%dma_start3A_16 : memref<100000x64xf32, #tpu.memory_space<hbm>>) target(%dma_start3A_10 : memref<256x64xf32, #tpu.memory_space<vmem>>) offsets(%dma_start3A_13 : memref<256xi32, #tpu.memory_space<vmem>>) semaphore(%dma_start3A_18 : memref<!tpu.dma_semaphore, #tpu.memory_space<semaphore_mem>>)
    %add3A_19 = arith.constant 256 : i32
    %add3A_20 = arith.addi %mul3A_2, %add3A_19 : i32
    %run_scoped3A_21 = arith.constant 1 : i32
    "tpu.region"() ({
      %run_scoped3A_281 = tpu.sem_alloc : memref<!tpu.dma_semaphore, #tpu.memory_space<semaphore_mem>>
      %dma_start3A_282 = arith.constant 0 : i32
      %dma_start3A_283 = tpu.memref_slice %arg5[%run_scoped3A_21, %dma_start3A_282] : memref<4x256xi32, #tpu.memory_space<vmem>> -> memref<1x256xi32, #tpu.memory_space<vmem>>
      %dma_start3A_284 = tpu.memref_squeeze %dma_start3A_283 : memref<1x256xi32, #tpu.memory_space<vmem>> -> memref<256xi32, #tpu.memory_space<vmem>>
      %dma_start3A_285 = tpu.memref_slice %arg2[%add3A_20] : memref<819200xi32, #tpu.memory_space<hbm>> -> memref<256xi32, #tpu.memory_space<hbm>>
      %dma_start3A_286 = arith.constant 0 : i32
      %dma_start3A_287 = tpu.memref_slice %arg5[%run_scoped3A_21, %dma_start3A_286] : memref<4x256xi32, #tpu.memory_space<vmem>> -> memref<1x256xi32, #tpu.memory_space<vmem>>
      %dma_start3A_288 = tpu.memref_squeeze %dma_start3A_287 : memref<1x256xi32, #tpu.memory_space<vmem>> -> memref<256xi32, #tpu.memory_space<vmem>>
      %dma_start3A_289 = tpu.memref_slice %arg2[%add3A_20] : memref<819200xi32, #tpu.memory_space<hbm>> -> memref<256xi32, #tpu.memory_space<hbm>>
      tpu.enqueue_dma source(%dma_start3A_289 : memref<256xi32, #tpu.memory_space<hbm>>) target(%dma_start3A_288 : memref<256xi32, #tpu.memory_space<vmem>>) target_semaphore(%run_scoped3A_281 : memref<!tpu.dma_semaphore, #tpu.memory_space<semaphore_mem>>)
      %dma_wait3A_290 = arith.constant 0 : i32
      %dma_wait3A_291 = tpu.memref_slice %arg5[%run_scoped3A_21, %dma_wait3A_290] : memref<4x256xi32, #tpu.memory_space<vmem>> -> memref<1x256xi32, #tpu.memory_space<vmem>>
      %dma_wait3A_292 = tpu.memref_squeeze %dma_wait3A_291 : memref<1x256xi32, #tpu.memory_space<vmem>> -> memref<256xi32, #tpu.memory_space<vmem>>
      %dma_wait3A_293 = tpu.memref_slice %arg2[%add3A_20] : memref<819200xi32, #tpu.memory_space<hbm>> -> memref<256xi32, #tpu.memory_space<hbm>>
      %dma_wait3A_294 = arith.constant 0 : i32
      %dma_wait3A_295 = tpu.memref_slice %arg5[%run_scoped3A_21, %dma_wait3A_294] : memref<4x256xi32, #tpu.memory_space<vmem>> -> memref<1x256xi32, #tpu.memory_space<vmem>>
      %dma_wait3A_296 = tpu.memref_squeeze %dma_wait3A_295 : memref<1x256xi32, #tpu.memory_space<vmem>> -> memref<256xi32, #tpu.memory_space<vmem>>
      %dma_wait3A_297 = tpu.memref_slice %arg2[%add3A_20] : memref<819200xi32, #tpu.memory_space<hbm>> -> memref<256xi32, #tpu.memory_space<hbm>>
      tpu.wait_dma2 semaphore(%run_scoped3A_281 : memref<!tpu.dma_semaphore, #tpu.memory_space<semaphore_mem>>) src(%dma_wait3A_297 : memref<256xi32, #tpu.memory_space<hbm>>) dst(%dma_wait3A_296 : memref<256xi32, #tpu.memory_space<vmem>>)
      tpu.yield
    }) : () -> ()
    %dma_start3A_22 = arith.constant 1 : i32
    %dma_start3A_23 = arith.constant 1 : i32
    %dma_start3A_24 = arith.constant 1 : i32
    %dma_start3A_25 = arith.constant 0 : i32
    %dma_start3A_26 = arith.constant 0 : i32
    %dma_start3A_27 = tpu.memref_slice %arg6[%dma_start3A_23, %dma_start3A_25, %dma_start3A_26] : memref<4x256x64xf32, #tpu.memory_space<vmem>> -> memref<1x256x64xf32, #tpu.memory_space<vmem>>
    %dma_start3A_28 = tpu.memref_squeeze %dma_start3A_27 : memref<1x256x64xf32, #tpu.memory_space<vmem>> -> memref<256x64xf32, #tpu.memory_space<vmem>>
    %dma_start3A_29 = arith.constant 0 : i32
    %dma_start3A_30 = tpu.memref_slice %arg5[%dma_start3A_22, %dma_start3A_29] : memref<4x256xi32, #tpu.memory_space<vmem>> -> memref<1x256xi32, #tpu.memory_space<vmem>>
    %dma_start3A_31 = tpu.memref_squeeze %dma_start3A_30 : memref<1x256xi32, #tpu.memory_space<vmem>> -> memref<256xi32, #tpu.memory_space<vmem>>
    %dma_start3A_32 = arith.constant 0 : i32
    %dma_start3A_33 = arith.constant 0 : i32
    %dma_start3A_34 = tpu.memref_slice %arg3[%dma_start3A_32, %dma_start3A_33] : memref<100000x64xf32, #tpu.memory_space<hbm>> -> memref<100000x64xf32, #tpu.memory_space<hbm>>
    %dma_start3A_35 = tpu.memref_slice %arg7[%dma_start3A_24] : memref<4x!tpu.dma_semaphore, #tpu.memory_space<semaphore_mem>> -> memref<1x!tpu.dma_semaphore, #tpu.memory_space<semaphore_mem>>
    %dma_start3A_36 = tpu.memref_squeeze %dma_start3A_35 : memref<1x!tpu.dma_semaphore, #tpu.memory_space<semaphore_mem>> -> memref<!tpu.dma_semaphore, #tpu.memory_space<semaphore_mem>>
    tpu.enqueue_indirect_dma source(%dma_start3A_34 : memref<100000x64xf32, #tpu.memory_space<hbm>>) target(%dma_start3A_28 : memref<256x64xf32, #tpu.memory_space<vmem>>) offsets(%dma_start3A_31 : memref<256xi32, #tpu.memory_space<vmem>>) semaphore(%dma_start3A_36 : memref<!tpu.dma_semaphore, #tpu.memory_space<semaphore_mem>>)
    %add3A_37 = arith.constant 512 : i32
    %add3A_38 = arith.addi %mul3A_2, %add3A_37 : i32
    %run_scoped3A_39 = arith.constant 2 : i32
    "tpu.region"() ({
      %run_scoped3A_281 = tpu.sem_alloc : memref<!tpu.dma_semaphore, #tpu.memory_space<semaphore_mem>>
      %dma_start3A_282 = arith.constant 0 : i32
      %dma_start3A_283 = tpu.memref_slice %arg5[%run_scoped3A_39, %dma_start3A_282] : memref<4x256xi32, #tpu.memory_space<vmem>> -> memref<1x256xi32, #tpu.memory_space<vmem>>
      %dma_start3A_284 = tpu.memref_squeeze %dma_start3A_283 : memref<1x256xi32, #tpu.memory_space<vmem>> -> memref<256xi32, #tpu.memory_space<vmem>>
      %dma_start3A_285 = tpu.memref_slice %arg2[%add3A_38] : memref<819200xi32, #tpu.memory_space<hbm>> -> memref<256xi32, #tpu.memory_space<hbm>>
      %dma_start3A_286 = arith.constant 0 : i32
      %dma_start3A_287 = tpu.memref_slice %arg5[%run_scoped3A_39, %dma_start3A_286] : memref<4x256xi32, #tpu.memory_space<vmem>> -> memref<1x256xi32, #tpu.memory_space<vmem>>
      %dma_start3A_288 = tpu.memref_squeeze %dma_start3A_287 : memref<1x256xi32, #tpu.memory_space<vmem>> -> memref<256xi32, #tpu.memory_space<vmem>>
      %dma_start3A_289 = tpu.memref_slice %arg2[%add3A_38] : memref<819200xi32, #tpu.memory_space<hbm>> -> memref<256xi32, #tpu.memory_space<hbm>>
      tpu.enqueue_dma source(%dma_start3A_289 : memref<256xi32, #tpu.memory_space<hbm>>) target(%dma_start3A_288 : memref<256xi32, #tpu.memory_space<vmem>>) target_semaphore(%run_scoped3A_281 : memref<!tpu.dma_semaphore, #tpu.memory_space<semaphore_mem>>)
      %dma_wait3A_290 = arith.constant 0 : i32
      %dma_wait3A_291 = tpu.memref_slice %arg5[%run_scoped3A_39, %dma_wait3A_290] : memref<4x256xi32, #tpu.memory_space<vmem>> -> memref<1x256xi32, #tpu.memory_space<vmem>>
      %dma_wait3A_292 = tpu.memref_squeeze %dma_wait3A_291 : memref<1x256xi32, #tpu.memory_space<vmem>> -> memref<256xi32, #tpu.memory_space<vmem>>
      %dma_wait3A_293 = tpu.memref_slice %arg2[%add3A_38] : memref<819200xi32, #tpu.memory_space<hbm>> -> memref<256xi32, #tpu.memory_space<hbm>>
      %dma_wait3A_294 = arith.constant 0 : i32
      %dma_wait3A_295 = tpu.memref_slice %arg5[%run_scoped3A_39, %dma_wait3A_294] : memref<4x256xi32, #tpu.memory_space<vmem>> -> memref<1x256xi32, #tpu.memory_space<vmem>>
      %dma_wait3A_296 = tpu.memref_squeeze %dma_wait3A_295 : memref<1x256xi32, #tpu.memory_space<vmem>> -> memref<256xi32, #tpu.memory_space<vmem>>
      %dma_wait3A_297 = tpu.memref_slice %arg2[%add3A_38] : memref<819200xi32, #tpu.memory_space<hbm>> -> memref<256xi32, #tpu.memory_space<hbm>>
      tpu.wait_dma2 semaphore(%run_scoped3A_281 : memref<!tpu.dma_semaphore, #tpu.memory_space<semaphore_mem>>) src(%dma_wait3A_297 : memref<256xi32, #tpu.memory_space<hbm>>) dst(%dma_wait3A_296 : memref<256xi32, #tpu.memory_space<vmem>>)
      tpu.yield
    }) : () -> ()
    %dma_start3A_40 = arith.constant 2 : i32
    %dma_start3A_41 = arith.constant 2 : i32
    %dma_start3A_42 = arith.constant 2 : i32
    %dma_start3A_43 = arith.constant 0 : i32
    %dma_start3A_44 = arith.constant 0 : i32
    %dma_start3A_45 = tpu.memref_slice %arg6[%dma_start3A_41, %dma_start3A_43, %dma_start3A_44] : memref<4x256x64xf32, #tpu.memory_space<vmem>> -> memref<1x256x64xf32, #tpu.memory_space<vmem>>
    %dma_start3A_46 = tpu.memref_squeeze %dma_start3A_45 : memref<1x256x64xf32, #tpu.memory_space<vmem>> -> memref<256x64xf32, #tpu.memory_space<vmem>>
    %dma_start3A_47 = arith.constant 0 : i32
    %dma_start3A_48 = tpu.memref_slice %arg5[%dma_start3A_40, %dma_start3A_47] : memref<4x256xi32, #tpu.memory_space<vmem>> -> memref<1x256xi32, #tpu.memory_space<vmem>>
    %dma_start3A_49 = tpu.memref_squeeze %dma_start3A_48 : memref<1x256xi32, #tpu.memory_space<vmem>> -> memref<256xi32, #tpu.memory_space<vmem>>
    %dma_start3A_50 = arith.constant 0 : i32
    %dma_start3A_51 = arith.constant 0 : i32
    %dma_start3A_52 = tpu.memref_slice %arg3[%dma_start3A_50, %dma_start3A_51] : memref<100000x64xf32, #tpu.memory_space<hbm>> -> memref<100000x64xf32, #tpu.memory_space<hbm>>
    %dma_start3A_53 = tpu.memref_slice %arg7[%dma_start3A_42] : memref<4x!tpu.dma_semaphore, #tpu.memory_space<semaphore_mem>> -> memref<1x!tpu.dma_semaphore, #tpu.memory_space<semaphore_mem>>
    %dma_start3A_54 = tpu.memref_squeeze %dma_start3A_53 : memref<1x!tpu.dma_semaphore, #tpu.memory_space<semaphore_mem>> -> memref<!tpu.dma_semaphore, #tpu.memory_space<semaphore_mem>>
    tpu.enqueue_indirect_dma source(%dma_start3A_52 : memref<100000x64xf32, #tpu.memory_space<hbm>>) target(%dma_start3A_46 : memref<256x64xf32, #tpu.memory_space<vmem>>) offsets(%dma_start3A_49 : memref<256xi32, #tpu.memory_space<vmem>>) semaphore(%dma_start3A_54 : memref<!tpu.dma_semaphore, #tpu.memory_space<semaphore_mem>>)
    %add3A_55 = arith.constant 768 : i32
    %add3A_56 = arith.addi %mul3A_2, %add3A_55 : i32
    %run_scoped3A_57 = arith.constant 3 : i32
    "tpu.region"() ({
      %run_scoped3A_281 = tpu.sem_alloc : memref<!tpu.dma_semaphore, #tpu.memory_space<semaphore_mem>>
      %dma_start3A_282 = arith.constant 0 : i32
      %dma_start3A_283 = tpu.memref_slice %arg5[%run_scoped3A_57, %dma_start3A_282] : memref<4x256xi32, #tpu.memory_space<vmem>> -> memref<1x256xi32, #tpu.memory_space<vmem>>
      %dma_start3A_284 = tpu.memref_squeeze %dma_start3A_283 : memref<1x256xi32, #tpu.memory_space<vmem>> -> memref<256xi32, #tpu.memory_space<vmem>>
      %dma_start3A_285 = tpu.memref_slice %arg2[%add3A_56] : memref<819200xi32, #tpu.memory_space<hbm>> -> memref<256xi32, #tpu.memory_space<hbm>>
      %dma_start3A_286 = arith.constant 0 : i32
      %dma_start3A_287 = tpu.memref_slice %arg5[%run_scoped3A_57, %dma_start3A_286] : memref<4x256xi32, #tpu.memory_space<vmem>> -> memref<1x256xi32, #tpu.memory_space<vmem>>
      %dma_start3A_288 = tpu.memref_squeeze %dma_start3A_287 : memref<1x256xi32, #tpu.memory_space<vmem>> -> memref<256xi32, #tpu.memory_space<vmem>>
      %dma_start3A_289 = tpu.memref_slice %arg2[%add3A_56] : memref<819200xi32, #tpu.memory_space<hbm>> -> memref<256xi32, #tpu.memory_space<hbm>>
      tpu.enqueue_dma source(%dma_start3A_289 : memref<256xi32, #tpu.memory_space<hbm>>) target(%dma_start3A_288 : memref<256xi32, #tpu.memory_space<vmem>>) target_semaphore(%run_scoped3A_281 : memref<!tpu.dma_semaphore, #tpu.memory_space<semaphore_mem>>)
      %dma_wait3A_290 = arith.constant 0 : i32
      %dma_wait3A_291 = tpu.memref_slice %arg5[%run_scoped3A_57, %dma_wait3A_290] : memref<4x256xi32, #tpu.memory_space<vmem>> -> memref<1x256xi32, #tpu.memory_space<vmem>>
      %dma_wait3A_292 = tpu.memref_squeeze %dma_wait3A_291 : memref<1x256xi32, #tpu.memory_space<vmem>> -> memref<256xi32, #tpu.memory_space<vmem>>
      %dma_wait3A_293 = tpu.memref_slice %arg2[%add3A_56] : memref<819200xi32, #tpu.memory_space<hbm>> -> memref<256xi32, #tpu.memory_space<hbm>>
      %dma_wait3A_294 = arith.constant 0 : i32
      %dma_wait3A_295 = tpu.memref_slice %arg5[%run_scoped3A_57, %dma_wait3A_294] : memref<4x256xi32, #tpu.memory_space<vmem>> -> memref<1x256xi32, #tpu.memory_space<vmem>>
      %dma_wait3A_296 = tpu.memref_squeeze %dma_wait3A_295 : memref<1x256xi32, #tpu.memory_space<vmem>> -> memref<256xi32, #tpu.memory_space<vmem>>
      %dma_wait3A_297 = tpu.memref_slice %arg2[%add3A_56] : memref<819200xi32, #tpu.memory_space<hbm>> -> memref<256xi32, #tpu.memory_space<hbm>>
      tpu.wait_dma2 semaphore(%run_scoped3A_281 : memref<!tpu.dma_semaphore, #tpu.memory_space<semaphore_mem>>) src(%dma_wait3A_297 : memref<256xi32, #tpu.memory_space<hbm>>) dst(%dma_wait3A_296 : memref<256xi32, #tpu.memory_space<vmem>>)
      tpu.yield
    }) : () -> ()
    %dma_start3A_58 = arith.constant 3 : i32
    %dma_start3A_59 = arith.constant 3 : i32
    %dma_start3A_60 = arith.constant 3 : i32
    %dma_start3A_61 = arith.constant 0 : i32
    %dma_start3A_62 = arith.constant 0 : i32
    %dma_start3A_63 = tpu.memref_slice %arg6[%dma_start3A_59, %dma_start3A_61, %dma_start3A_62] : memref<4x256x64xf32, #tpu.memory_space<vmem>> -> memref<1x256x64xf32, #tpu.memory_space<vmem>>
    %dma_start3A_64 = tpu.memref_squeeze %dma_start3A_63 : memref<1x256x64xf32, #tpu.memory_space<vmem>> -> memref<256x64xf32, #tpu.memory_space<vmem>>
    %dma_start3A_65 = arith.constant 0 : i32
    %dma_start3A_66 = tpu.memref_slice %arg5[%dma_start3A_58, %dma_start3A_65] : memref<4x256xi32, #tpu.memory_space<vmem>> -> memref<1x256xi32, #tpu.memory_space<vmem>>
    %dma_start3A_67 = tpu.memref_squeeze %dma_start3A_66 : memref<1x256xi32, #tpu.memory_space<vmem>> -> memref<256xi32, #tpu.memory_space<vmem>>
    %dma_start3A_68 = arith.constant 0 : i32
    %dma_start3A_69 = arith.constant 0 : i32
    %dma_start3A_70 = tpu.memref_slice %arg3[%dma_start3A_68, %dma_start3A_69] : memref<100000x64xf32, #tpu.memory_space<hbm>> -> memref<100000x64xf32, #tpu.memory_space<hbm>>
    %dma_start3A_71 = tpu.memref_slice %arg7[%dma_start3A_60] : memref<4x!tpu.dma_semaphore, #tpu.memory_space<semaphore_mem>> -> memref<1x!tpu.dma_semaphore, #tpu.memory_space<semaphore_mem>>
    %dma_start3A_72 = tpu.memref_squeeze %dma_start3A_71 : memref<1x!tpu.dma_semaphore, #tpu.memory_space<semaphore_mem>> -> memref<!tpu.dma_semaphore, #tpu.memory_space<semaphore_mem>>
    tpu.enqueue_indirect_dma source(%dma_start3A_70 : memref<100000x64xf32, #tpu.memory_space<hbm>>) target(%dma_start3A_64 : memref<256x64xf32, #tpu.memory_space<vmem>>) offsets(%dma_start3A_67 : memref<256xi32, #tpu.memory_space<vmem>>) semaphore(%dma_start3A_72 : memref<!tpu.dma_semaphore, #tpu.memory_space<semaphore_mem>>)
    %scan3A = arith.constant 0 : i32
    %scan3A_73 = arith.constant 0 : i32
    %scan3A_74 = arith.constant 24 : i32
    %scan3A_75 = arith.addi %scan3A_73, %scan3A_74 : i32
    %scan3A_76 = arith.constant 1 : i32
    scf.for %scan3A_281 = %scan3A_73 to %scan3A_75 step %scan3A_76  : i32 {
      %mul3A_282 = arith.constant 4 : i32
      %mul3A_283 = arith.muli %scan3A_281, %mul3A_282 : i32
      %dma_wait3A_284 = arith.constant 0 : i32
      %dma_wait3A_285 = arith.constant 0 : i32
      %dma_wait3A_286 = arith.constant 0 : i32
      %dma_wait3A_287 = arith.constant 0 : i32
      %dma_wait3A_288 = arith.constant 0 : i32
      %dma_wait3A_289 = tpu.memref_slice %arg6[%dma_wait3A_285, %dma_wait3A_287, %dma_wait3A_288] : memref<4x256x64xf32, #tpu.memory_space<vmem>> -> memref<1x256x64xf32, #tpu.memory_space<vmem>>
      %dma_wait3A_290 = tpu.memref_squeeze %dma_wait3A_289 : memref<1x256x64xf32, #tpu.memory_space<vmem>> -> memref<256x64xf32, #tpu.memory_space<vmem>>
      %dma_wait3A_291 = arith.constant 0 : i32
      %dma_wait3A_292 = tpu.memref_slice %arg5[%dma_wait3A_284, %dma_wait3A_291] : memref<4x256xi32, #tpu.memory_space<vmem>> -> memref<1x256xi32, #tpu.memory_space<vmem>>
      %dma_wait3A_293 = tpu.memref_squeeze %dma_wait3A_292 : memref<1x256xi32, #tpu.memory_space<vmem>> -> memref<256xi32, #tpu.memory_space<vmem>>
      %dma_wait3A_294 = arith.constant 0 : i32
      %dma_wait3A_295 = arith.constant 0 : i32
      %dma_wait3A_296 = tpu.memref_slice %arg3[%dma_wait3A_294, %dma_wait3A_295] : memref<100000x64xf32, #tpu.memory_space<hbm>> -> memref<100000x64xf32, #tpu.memory_space<hbm>>
      %dma_wait3A_297 = tpu.memref_slice %arg7[%dma_wait3A_286] : memref<4x!tpu.dma_semaphore, #tpu.memory_space<semaphore_mem>> -> memref<1x!tpu.dma_semaphore, #tpu.memory_space<semaphore_mem>>
      %dma_wait3A_298 = tpu.memref_squeeze %dma_wait3A_297 : memref<1x!tpu.dma_semaphore, #tpu.memory_space<semaphore_mem>> -> memref<!tpu.dma_semaphore, #tpu.memory_space<semaphore_mem>>
      tpu.wait_indirect_dma semaphore(%dma_wait3A_298 : memref<!tpu.dma_semaphore, #tpu.memory_space<semaphore_mem>>) src(%dma_wait3A_296 : memref<100000x64xf32, #tpu.memory_space<hbm>>) dst(%dma_wait3A_290 : memref<256x64xf32, #tpu.memory_space<vmem>>)
      %add3A_299 = arith.constant 0 : i32
      %add3A_300 = arith.addi %mul3A_283, %add3A_299 : i32
      %mul3A_301 = arith.constant 256 : i32
      %mul3A_302 = arith.muli %add3A_300, %mul3A_301 : i32
      %add3A_303 = arith.addi %mul3A_2, %mul3A_302 : i32
      %dma_start3A_304 = arith.constant 0 : i32
      %dma_start3A_305 = arith.constant 0 : i32
      %dma_start3A_306 = arith.constant 0 : i32
      %dma_start3A_307 = arith.constant 0 : i32
      %dma_start3A_308 = tpu.memref_slice %arg6[%dma_start3A_304, %dma_start3A_306, %dma_start3A_307] : memref<4x256x64xf32, #tpu.memory_space<vmem>> -> memref<1x256x64xf32, #tpu.memory_space<vmem>>
      %dma_start3A_309 = tpu.memref_squeeze %dma_start3A_308 : memref<1x256x64xf32, #tpu.memory_space<vmem>> -> memref<256x64xf32, #tpu.memory_space<vmem>>
      %dma_start3A_310 = arith.constant 0 : i32
      %dma_start3A_311 = tpu.memref_slice %arg4[%add3A_303, %dma_start3A_310] : memref<819200x64xf32, #tpu.memory_space<hbm>> -> memref<256x64xf32, #tpu.memory_space<hbm>>
      %dma_start3A_312 = tpu.memref_slice %arg8[%dma_start3A_305] : memref<4x!tpu.dma_semaphore, #tpu.memory_space<semaphore_mem>> -> memref<1x!tpu.dma_semaphore, #tpu.memory_space<semaphore_mem>>
      %dma_start3A_313 = tpu.memref_squeeze %dma_start3A_312 : memref<1x!tpu.dma_semaphore, #tpu.memory_space<semaphore_mem>> -> memref<!tpu.dma_semaphore, #tpu.memory_space<semaphore_mem>>
      %dma_start3A_314 = arith.constant 0 : i32
      %dma_start3A_315 = tpu.memref_slice %arg4[%add3A_303, %dma_start3A_314] : memref<819200x64xf32, #tpu.memory_space<hbm>> -> memref<256x64xf32, #tpu.memory_space<hbm>>
      %dma_start3A_316 = arith.constant 0 : i32
      %dma_start3A_317 = arith.constant 0 : i32
      %dma_start3A_318 = tpu.memref_slice %arg6[%dma_start3A_304, %dma_start3A_316, %dma_start3A_317] : memref<4x256x64xf32, #tpu.memory_space<vmem>> -> memref<1x256x64xf32, #tpu.memory_space<vmem>>
      %dma_start3A_319 = tpu.memref_squeeze %dma_start3A_318 : memref<1x256x64xf32, #tpu.memory_space<vmem>> -> memref<256x64xf32, #tpu.memory_space<vmem>>
      tpu.enqueue_dma source(%dma_start3A_319 : memref<256x64xf32, #tpu.memory_space<vmem>>) target(%dma_start3A_315 : memref<256x64xf32, #tpu.memory_space<hbm>>) target_semaphore(%dma_start3A_313 : memref<!tpu.dma_semaphore, #tpu.memory_space<semaphore_mem>>)
      %dma_wait3A_320 = arith.constant 1 : i32
      %dma_wait3A_321 = arith.constant 1 : i32
      %dma_wait3A_322 = arith.constant 1 : i32
      %dma_wait3A_323 = arith.constant 0 : i32
      %dma_wait3A_324 = arith.constant 0 : i32
      %dma_wait3A_325 = tpu.memref_slice %arg6[%dma_wait3A_321, %dma_wait3A_323, %dma_wait3A_324] : memref<4x256x64xf32, #tpu.memory_space<vmem>> -> memref<1x256x64xf32, #tpu.memory_space<vmem>>
      %dma_wait3A_326 = tpu.memref_squeeze %dma_wait3A_325 : memref<1x256x64xf32, #tpu.memory_space<vmem>> -> memref<256x64xf32, #tpu.memory_space<vmem>>
      %dma_wait3A_327 = arith.constant 0 : i32
      %dma_wait3A_328 = tpu.memref_slice %arg5[%dma_wait3A_320, %dma_wait3A_327] : memref<4x256xi32, #tpu.memory_space<vmem>> -> memref<1x256xi32, #tpu.memory_space<vmem>>
      %dma_wait3A_329 = tpu.memref_squeeze %dma_wait3A_328 : memref<1x256xi32, #tpu.memory_space<vmem>> -> memref<256xi32, #tpu.memory_space<vmem>>
      %dma_wait3A_330 = arith.constant 0 : i32
      %dma_wait3A_331 = arith.constant 0 : i32
      %dma_wait3A_332 = tpu.memref_slice %arg3[%dma_wait3A_330, %dma_wait3A_331] : memref<100000x64xf32, #tpu.memory_space<hbm>> -> memref<100000x64xf32, #tpu.memory_space<hbm>>
      %dma_wait3A_333 = tpu.memref_slice %arg7[%dma_wait3A_322] : memref<4x!tpu.dma_semaphore, #tpu.memory_space<semaphore_mem>> -> memref<1x!tpu.dma_semaphore, #tpu.memory_space<semaphore_mem>>
      %dma_wait3A_334 = tpu.memref_squeeze %dma_wait3A_333 : memref<1x!tpu.dma_semaphore, #tpu.memory_space<semaphore_mem>> -> memref<!tpu.dma_semaphore, #tpu.memory_space<semaphore_mem>>
      tpu.wait_indirect_dma semaphore(%dma_wait3A_334 : memref<!tpu.dma_semaphore, #tpu.memory_space<semaphore_mem>>) src(%dma_wait3A_332 : memref<100000x64xf32, #tpu.memory_space<hbm>>) dst(%dma_wait3A_326 : memref<256x64xf32, #tpu.memory_space<vmem>>)
      %add3A_335 = arith.constant 1 : i32
      %add3A_336 = arith.addi %mul3A_283, %add3A_335 : i32
      %mul3A_337 = arith.constant 256 : i32
      %mul3A_338 = arith.muli %add3A_336, %mul3A_337 : i32
      %add3A_339 = arith.addi %mul3A_2, %mul3A_338 : i32
      %dma_start3A_340 = arith.constant 1 : i32
      %dma_start3A_341 = arith.constant 1 : i32
      %dma_start3A_342 = arith.constant 0 : i32
      %dma_start3A_343 = arith.constant 0 : i32
      %dma_start3A_344 = tpu.memref_slice %arg6[%dma_start3A_340, %dma_start3A_342, %dma_start3A_343] : memref<4x256x64xf32, #tpu.memory_space<vmem>> -> memref<1x256x64xf32, #tpu.memory_space<vmem>>
      %dma_start3A_345 = tpu.memref_squeeze %dma_start3A_344 : memref<1x256x64xf32, #tpu.memory_space<vmem>> -> memref<256x64xf32, #tpu.memory_space<vmem>>
      %dma_start3A_346 = arith.constant 0 : i32
      %dma_start3A_347 = tpu.memref_slice %arg4[%add3A_339, %dma_start3A_346] : memref<819200x64xf32, #tpu.memory_space<hbm>> -> memref<256x64xf32, #tpu.memory_space<hbm>>
      %dma_start3A_348 = tpu.memref_slice %arg8[%dma_start3A_341] : memref<4x!tpu.dma_semaphore, #tpu.memory_space<semaphore_mem>> -> memref<1x!tpu.dma_semaphore, #tpu.memory_space<semaphore_mem>>
      %dma_start3A_349 = tpu.memref_squeeze %dma_start3A_348 : memref<1x!tpu.dma_semaphore, #tpu.memory_space<semaphore_mem>> -> memref<!tpu.dma_semaphore, #tpu.memory_space<semaphore_mem>>
      %dma_start3A_350 = arith.constant 0 : i32
      %dma_start3A_351 = tpu.memref_slice %arg4[%add3A_339, %dma_start3A_350] : memref<819200x64xf32, #tpu.memory_space<hbm>> -> memref<256x64xf32, #tpu.memory_space<hbm>>
      %dma_start3A_352 = arith.constant 0 : i32
      %dma_start3A_353 = arith.constant 0 : i32
      %dma_start3A_354 = tpu.memref_slice %arg6[%dma_start3A_340, %dma_start3A_352, %dma_start3A_353] : memref<4x256x64xf32, #tpu.memory_space<vmem>> -> memref<1x256x64xf32, #tpu.memory_space<vmem>>
      %dma_start3A_355 = tpu.memref_squeeze %dma_start3A_354 : memref<1x256x64xf32, #tpu.memory_space<vmem>> -> memref<256x64xf32, #tpu.memory_space<vmem>>
      tpu.enqueue_dma source(%dma_start3A_355 : memref<256x64xf32, #tpu.memory_space<vmem>>) target(%dma_start3A_351 : memref<256x64xf32, #tpu.memory_space<hbm>>) target_semaphore(%dma_start3A_349 : memref<!tpu.dma_semaphore, #tpu.memory_space<semaphore_mem>>)
      %dma_wait3A_356 = arith.constant 2 : i32
      %dma_wait3A_357 = arith.constant 2 : i32
      %dma_wait3A_358 = arith.constant 2 : i32
      %dma_wait3A_359 = arith.constant 0 : i32
      %dma_wait3A_360 = arith.constant 0 : i32
      %dma_wait3A_361 = tpu.memref_slice %arg6[%dma_wait3A_357, %dma_wait3A_359, %dma_wait3A_360] : memref<4x256x64xf32, #tpu.memory_space<vmem>> -> memref<1x256x64xf32, #tpu.memory_space<vmem>>
      %dma_wait3A_362 = tpu.memref_squeeze %dma_wait3A_361 : memref<1x256x64xf32, #tpu.memory_space<vmem>> -> memref<256x64xf32, #tpu.memory_space<vmem>>
      %dma_wait3A_363 = arith.constant 0 : i32
      %dma_wait3A_364 = tpu.memref_slice %arg5[%dma_wait3A_356, %dma_wait3A_363] : memref<4x256xi32, #tpu.memory_space<vmem>> -> memref<1x256xi32, #tpu.memory_space<vmem>>
      %dma_wait3A_365 = tpu.memref_squeeze %dma_wait3A_364 : memref<1x256xi32, #tpu.memory_space<vmem>> -> memref<256xi32, #tpu.memory_space<vmem>>
      %dma_wait3A_366 = arith.constant 0 : i32
      %dma_wait3A_367 = arith.constant 0 : i32
      %dma_wait3A_368 = tpu.memref_slice %arg3[%dma_wait3A_366, %dma_wait3A_367] : memref<100000x64xf32, #tpu.memory_space<hbm>> -> memref<100000x64xf32, #tpu.memory_space<hbm>>
      %dma_wait3A_369 = tpu.memref_slice %arg7[%dma_wait3A_358] : memref<4x!tpu.dma_semaphore, #tpu.memory_space<semaphore_mem>> -> memref<1x!tpu.dma_semaphore, #tpu.memory_space<semaphore_mem>>
      %dma_wait3A_370 = tpu.memref_squeeze %dma_wait3A_369 : memref<1x!tpu.dma_semaphore, #tpu.memory_space<semaphore_mem>> -> memref<!tpu.dma_semaphore, #tpu.memory_space<semaphore_mem>>
      tpu.wait_indirect_dma semaphore(%dma_wait3A_370 : memref<!tpu.dma_semaphore, #tpu.memory_space<semaphore_mem>>) src(%dma_wait3A_368 : memref<100000x64xf32, #tpu.memory_space<hbm>>) dst(%dma_wait3A_362 : memref<256x64xf32, #tpu.memory_space<vmem>>)
      %add3A_371 = arith.constant 2 : i32
      %add3A_372 = arith.addi %mul3A_283, %add3A_371 : i32
      %mul3A_373 = arith.constant 256 : i32
      %mul3A_374 = arith.muli %add3A_372, %mul3A_373 : i32
      %add3A_375 = arith.addi %mul3A_2, %mul3A_374 : i32
      %dma_start3A_376 = arith.constant 2 : i32
      %dma_start3A_377 = arith.constant 2 : i32
      %dma_start3A_378 = arith.constant 0 : i32
      %dma_start3A_379 = arith.constant 0 : i32
      %dma_start3A_380 = tpu.memref_slice %arg6[%dma_start3A_376, %dma_start3A_378, %dma_start3A_379] : memref<4x256x64xf32, #tpu.memory_space<vmem>> -> memref<1x256x64xf32, #tpu.memory_space<vmem>>
      %dma_start3A_381 = tpu.memref_squeeze %dma_start3A_380 : memref<1x256x64xf32, #tpu.memory_space<vmem>> -> memref<256x64xf32, #tpu.memory_space<vmem>>
      %dma_start3A_382 = arith.constant 0 : i32
      %dma_start3A_383 = tpu.memref_slice %arg4[%add3A_375, %dma_start3A_382] : memref<819200x64xf32, #tpu.memory_space<hbm>> -> memref<256x64xf32, #tpu.memory_space<hbm>>
      %dma_start3A_384 = tpu.memref_slice %arg8[%dma_start3A_377] : memref<4x!tpu.dma_semaphore, #tpu.memory_space<semaphore_mem>> -> memref<1x!tpu.dma_semaphore, #tpu.memory_space<semaphore_mem>>
      %dma_start3A_385 = tpu.memref_squeeze %dma_start3A_384 : memref<1x!tpu.dma_semaphore, #tpu.memory_space<semaphore_mem>> -> memref<!tpu.dma_semaphore, #tpu.memory_space<semaphore_mem>>
      %dma_start3A_386 = arith.constant 0 : i32
      %dma_start3A_387 = tpu.memref_slice %arg4[%add3A_375, %dma_start3A_386] : memref<819200x64xf32, #tpu.memory_space<hbm>> -> memref<256x64xf32, #tpu.memory_space<hbm>>
      %dma_start3A_388 = arith.constant 0 : i32
      %dma_start3A_389 = arith.constant 0 : i32
      %dma_start3A_390 = tpu.memref_slice %arg6[%dma_start3A_376, %dma_start3A_388, %dma_start3A_389] : memref<4x256x64xf32, #tpu.memory_space<vmem>> -> memref<1x256x64xf32, #tpu.memory_space<vmem>>
      %dma_start3A_391 = tpu.memref_squeeze %dma_start3A_390 : memref<1x256x64xf32, #tpu.memory_space<vmem>> -> memref<256x64xf32, #tpu.memory_space<vmem>>
      tpu.enqueue_dma source(%dma_start3A_391 : memref<256x64xf32, #tpu.memory_space<vmem>>) target(%dma_start3A_387 : memref<256x64xf32, #tpu.memory_space<hbm>>) target_semaphore(%dma_start3A_385 : memref<!tpu.dma_semaphore, #tpu.memory_space<semaphore_mem>>)
      %dma_wait3A_392 = arith.constant 3 : i32
      %dma_wait3A_393 = arith.constant 3 : i32
      %dma_wait3A_394 = arith.constant 3 : i32
      %dma_wait3A_395 = arith.constant 0 : i32
      %dma_wait3A_396 = arith.constant 0 : i32
      %dma_wait3A_397 = tpu.memref_slice %arg6[%dma_wait3A_393, %dma_wait3A_395, %dma_wait3A_396] : memref<4x256x64xf32, #tpu.memory_space<vmem>> -> memref<1x256x64xf32, #tpu.memory_space<vmem>>
      %dma_wait3A_398 = tpu.memref_squeeze %dma_wait3A_397 : memref<1x256x64xf32, #tpu.memory_space<vmem>> -> memref<256x64xf32, #tpu.memory_space<vmem>>
      %dma_wait3A_399 = arith.constant 0 : i32
      %dma_wait3A_400 = tpu.memref_slice %arg5[%dma_wait3A_392, %dma_wait3A_399] : memref<4x256xi32, #tpu.memory_space<vmem>> -> memref<1x256xi32, #tpu.memory_space<vmem>>
      %dma_wait3A_401 = tpu.memref_squeeze %dma_wait3A_400 : memref<1x256xi32, #tpu.memory_space<vmem>> -> memref<256xi32, #tpu.memory_space<vmem>>
      %dma_wait3A_402 = arith.constant 0 : i32
      %dma_wait3A_403 = arith.constant 0 : i32
      %dma_wait3A_404 = tpu.memref_slice %arg3[%dma_wait3A_402, %dma_wait3A_403] : memref<100000x64xf32, #tpu.memory_space<hbm>> -> memref<100000x64xf32, #tpu.memory_space<hbm>>
      %dma_wait3A_405 = tpu.memref_slice %arg7[%dma_wait3A_394] : memref<4x!tpu.dma_semaphore, #tpu.memory_space<semaphore_mem>> -> memref<1x!tpu.dma_semaphore, #tpu.memory_space<semaphore_mem>>
      %dma_wait3A_406 = tpu.memref_squeeze %dma_wait3A_405 : memref<1x!tpu.dma_semaphore, #tpu.memory_space<semaphore_mem>> -> memref<!tpu.dma_semaphore, #tpu.memory_space<semaphore_mem>>
      tpu.wait_indirect_dma semaphore(%dma_wait3A_406 : memref<!tpu.dma_semaphore, #tpu.memory_space<semaphore_mem>>) src(%dma_wait3A_404 : memref<100000x64xf32, #tpu.memory_space<hbm>>) dst(%dma_wait3A_398 : memref<256x64xf32, #tpu.memory_space<vmem>>)
      %add3A_407 = arith.constant 3 : i32
      %add3A_408 = arith.addi %mul3A_283, %add3A_407 : i32
      %mul3A_409 = arith.constant 256 : i32
      %mul3A_410 = arith.muli %add3A_408, %mul3A_409 : i32
      %add3A_411 = arith.addi %mul3A_2, %mul3A_410 : i32
      %dma_start3A_412 = arith.constant 3 : i32
      %dma_start3A_413 = arith.constant 3 : i32
      %dma_start3A_414 = arith.constant 0 : i32
      %dma_start3A_415 = arith.constant 0 : i32
      %dma_start3A_416 = tpu.memref_slice %arg6[%dma_start3A_412, %dma_start3A_414, %dma_start3A_415] : memref<4x256x64xf32, #tpu.memory_space<vmem>> -> memref<1x256x64xf32, #tpu.memory_space<vmem>>
      %dma_start3A_417 = tpu.memref_squeeze %dma_start3A_416 : memref<1x256x64xf32, #tpu.memory_space<vmem>> -> memref<256x64xf32, #tpu.memory_space<vmem>>
      %dma_start3A_418 = arith.constant 0 : i32
      %dma_start3A_419 = tpu.memref_slice %arg4[%add3A_411, %dma_start3A_418] : memref<819200x64xf32, #tpu.memory_space<hbm>> -> memref<256x64xf32, #tpu.memory_space<hbm>>
      %dma_start3A_420 = tpu.memref_slice %arg8[%dma_start3A_413] : memref<4x!tpu.dma_semaphore, #tpu.memory_space<semaphore_mem>> -> memref<1x!tpu.dma_semaphore, #tpu.memory_space<semaphore_mem>>
      %dma_start3A_421 = tpu.memref_squeeze %dma_start3A_420 : memref<1x!tpu.dma_semaphore, #tpu.memory_space<semaphore_mem>> -> memref<!tpu.dma_semaphore, #tpu.memory_space<semaphore_mem>>
      %dma_start3A_422 = arith.constant 0 : i32
      %dma_start3A_423 = tpu.memref_slice %arg4[%add3A_411, %dma_start3A_422] : memref<819200x64xf32, #tpu.memory_space<hbm>> -> memref<256x64xf32, #tpu.memory_space<hbm>>
      %dma_start3A_424 = arith.constant 0 : i32
      %dma_start3A_425 = arith.constant 0 : i32
      %dma_start3A_426 = tpu.memref_slice %arg6[%dma_start3A_412, %dma_start3A_424, %dma_start3A_425] : memref<4x256x64xf32, #tpu.memory_space<vmem>> -> memref<1x256x64xf32, #tpu.memory_space<vmem>>
      %dma_start3A_427 = tpu.memref_squeeze %dma_start3A_426 : memref<1x256x64xf32, #tpu.memory_space<vmem>> -> memref<256x64xf32, #tpu.memory_space<vmem>>
      tpu.enqueue_dma source(%dma_start3A_427 : memref<256x64xf32, #tpu.memory_space<vmem>>) target(%dma_start3A_423 : memref<256x64xf32, #tpu.memory_space<hbm>>) target_semaphore(%dma_start3A_421 : memref<!tpu.dma_semaphore, #tpu.memory_space<semaphore_mem>>)
      %add3A_428 = arith.constant 0 : i32
      %add3A_429 = arith.addi %mul3A_283, %add3A_428 : i32
      %mul3A_430 = arith.constant 256 : i32
      %mul3A_431 = arith.muli %add3A_429, %mul3A_430 : i32
      %add3A_432 = arith.addi %mul3A_2, %mul3A_431 : i32
      %dma_wait3A_433 = arith.constant 0 : i32
      %dma_wait3A_434 = arith.constant 0 : i32
      %dma_wait3A_435 = arith.constant 0 : i32
      %dma_wait3A_436 = arith.constant 0 : i32
      %dma_wait3A_437 = tpu.memref_slice %arg6[%dma_wait3A_433, %dma_wait3A_435, %dma_wait3A_436] : memref<4x256x64xf32, #tpu.memory_space<vmem>> -> memref<1x256x64xf32, #tpu.memory_space<vmem>>
      %dma_wait3A_438 = tpu.memref_squeeze %dma_wait3A_437 : memref<1x256x64xf32, #tpu.memory_space<vmem>> -> memref<256x64xf32, #tpu.memory_space<vmem>>
      %dma_wait3A_439 = arith.constant 0 : i32
      %dma_wait3A_440 = tpu.memref_slice %arg4[%add3A_432, %dma_wait3A_439] : memref<819200x64xf32, #tpu.memory_space<hbm>> -> memref<256x64xf32, #tpu.memory_space<hbm>>
      %dma_wait3A_441 = tpu.memref_slice %arg8[%dma_wait3A_434] : memref<4x!tpu.dma_semaphore, #tpu.memory_space<semaphore_mem>> -> memref<1x!tpu.dma_semaphore, #tpu.memory_space<semaphore_mem>>
      %dma_wait3A_442 = tpu.memref_squeeze %dma_wait3A_441 : memref<1x!tpu.dma_semaphore, #tpu.memory_space<semaphore_mem>> -> memref<!tpu.dma_semaphore, #tpu.memory_space<semaphore_mem>>
      %dma_wait3A_443 = arith.constant 0 : i32
      %dma_wait3A_444 = tpu.memref_slice %arg4[%add3A_432, %dma_wait3A_443] : memref<819200x64xf32, #tpu.memory_space<hbm>> -> memref<256x64xf32, #tpu.memory_space<hbm>>
      %dma_wait3A_445 = arith.constant 0 : i32
      %dma_wait3A_446 = arith.constant 0 : i32
      %dma_wait3A_447 = tpu.memref_slice %arg6[%dma_wait3A_433, %dma_wait3A_445, %dma_wait3A_446] : memref<4x256x64xf32, #tpu.memory_space<vmem>> -> memref<1x256x64xf32, #tpu.memory_space<vmem>>
      %dma_wait3A_448 = tpu.memref_squeeze %dma_wait3A_447 : memref<1x256x64xf32, #tpu.memory_space<vmem>> -> memref<256x64xf32, #tpu.memory_space<vmem>>
      tpu.wait_dma2 semaphore(%dma_wait3A_442 : memref<!tpu.dma_semaphore, #tpu.memory_space<semaphore_mem>>) src(%dma_wait3A_448 : memref<256x64xf32, #tpu.memory_space<vmem>>) dst(%dma_wait3A_444 : memref<256x64xf32, #tpu.memory_space<hbm>>)
      %add3A_449 = arith.constant 0 : i32
      %add3A_450 = arith.addi %mul3A_283, %add3A_449 : i32
      %add3A_451 = arith.constant 4 : i32
      %add3A_452 = arith.addi %add3A_450, %add3A_451 : i32
      %mul3A_453 = arith.constant 256 : i32
      %mul3A_454 = arith.muli %add3A_452, %mul3A_453 : i32
      %add3A_455 = arith.addi %mul3A_2, %mul3A_454 : i32
      %run_scoped3A_456 = arith.constant 0 : i32
      "tpu.region"() ({
        %run_scoped3A_604 = tpu.sem_alloc : memref<!tpu.dma_semaphore, #tpu.memory_space<semaphore_mem>>
        %dma_start3A_605 = arith.constant 0 : i32
        %dma_start3A_606 = tpu.memref_slice %arg5[%run_scoped3A_456, %dma_start3A_605] : memref<4x256xi32, #tpu.memory_space<vmem>> -> memref<1x256xi32, #tpu.memory_space<vmem>>
        %dma_start3A_607 = tpu.memref_squeeze %dma_start3A_606 : memref<1x256xi32, #tpu.memory_space<vmem>> -> memref<256xi32, #tpu.memory_space<vmem>>
        %dma_start3A_608 = tpu.memref_slice %arg2[%add3A_455] : memref<819200xi32, #tpu.memory_space<hbm>> -> memref<256xi32, #tpu.memory_space<hbm>>
        %dma_start3A_609 = arith.constant 0 : i32
        %dma_start3A_610 = tpu.memref_slice %arg5[%run_scoped3A_456, %dma_start3A_609] : memref<4x256xi32, #tpu.memory_space<vmem>> -> memref<1x256xi32, #tpu.memory_space<vmem>>
        %dma_start3A_611 = tpu.memref_squeeze %dma_start3A_610 : memref<1x256xi32, #tpu.memory_space<vmem>> -> memref<256xi32, #tpu.memory_space<vmem>>
        %dma_start3A_612 = tpu.memref_slice %arg2[%add3A_455] : memref<819200xi32, #tpu.memory_space<hbm>> -> memref<256xi32, #tpu.memory_space<hbm>>
        tpu.enqueue_dma source(%dma_start3A_612 : memref<256xi32, #tpu.memory_space<hbm>>) target(%dma_start3A_611 : memref<256xi32, #tpu.memory_space<vmem>>) target_semaphore(%run_scoped3A_604 : memref<!tpu.dma_semaphore, #tpu.memory_space<semaphore_mem>>)
        %dma_wait3A_613 = arith.constant 0 : i32
        %dma_wait3A_614 = tpu.memref_slice %arg5[%run_scoped3A_456, %dma_wait3A_613] : memref<4x256xi32, #tpu.memory_space<vmem>> -> memref<1x256xi32, #tpu.memory_space<vmem>>
        %dma_wait3A_615 = tpu.memref_squeeze %dma_wait3A_614 : memref<1x256xi32, #tpu.memory_space<vmem>> -> memref<256xi32, #tpu.memory_space<vmem>>
        %dma_wait3A_616 = tpu.memref_slice %arg2[%add3A_455] : memref<819200xi32, #tpu.memory_space<hbm>> -> memref<256xi32, #tpu.memory_space<hbm>>
        %dma_wait3A_617 = arith.constant 0 : i32
        %dma_wait3A_618 = tpu.memref_slice %arg5[%run_scoped3A_456, %dma_wait3A_617] : memref<4x256xi32, #tpu.memory_space<vmem>> -> memref<1x256xi32, #tpu.memory_space<vmem>>
        %dma_wait3A_619 = tpu.memref_squeeze %dma_wait3A_618 : memref<1x256xi32, #tpu.memory_space<vmem>> -> memref<256xi32, #tpu.memory_space<vmem>>
        %dma_wait3A_620 = tpu.memref_slice %arg2[%add3A_455] : memref<819200xi32, #tpu.memory_space<hbm>> -> memref<256xi32, #tpu.memory_space<hbm>>
        tpu.wait_dma2 semaphore(%run_scoped3A_604 : memref<!tpu.dma_semaphore, #tpu.memory_space<semaphore_mem>>) src(%dma_wait3A_620 : memref<256xi32, #tpu.memory_space<hbm>>) dst(%dma_wait3A_619 : memref<256xi32, #tpu.memory_space<vmem>>)
        tpu.yield
      }) : () -> ()
      %dma_start3A_457 = arith.constant 0 : i32
      %dma_start3A_458 = arith.constant 0 : i32
      %dma_start3A_459 = arith.constant 0 : i32
      %dma_start3A_460 = arith.constant 0 : i32
      %dma_start3A_461 = arith.constant 0 : i32
      %dma_start3A_462 = tpu.memref_slice %arg6[%dma_start3A_458, %dma_start3A_460, %dma_start3A_461] : memref<4x256x64xf32, #tpu.memory_space<vmem>> -> memref<1x256x64xf32, #tpu.memory_space<vmem>>
      %dma_start3A_463 = tpu.memref_squeeze %dma_start3A_462 : memref<1x256x64xf32, #tpu.memory_space<vmem>> -> memref<256x64xf32, #tpu.memory_space<vmem>>
      %dma_start3A_464 = arith.constant 0 : i32
      %dma_start3A_465 = tpu.memref_slice %arg5[%dma_start3A_457, %dma_start3A_464] : memref<4x256xi32, #tpu.memory_space<vmem>> -> memref<1x256xi32, #tpu.memory_space<vmem>>
      %dma_start3A_466 = tpu.memref_squeeze %dma_start3A_465 : memref<1x256xi32, #tpu.memory_space<vmem>> -> memref<256xi32, #tpu.memory_space<vmem>>
      %dma_start3A_467 = arith.constant 0 : i32
      %dma_start3A_468 = arith.constant 0 : i32
      %dma_start3A_469 = tpu.memref_slice %arg3[%dma_start3A_467, %dma_start3A_468] : memref<100000x64xf32, #tpu.memory_space<hbm>> -> memref<100000x64xf32, #tpu.memory_space<hbm>>
      %dma_start3A_470 = tpu.memref_slice %arg7[%dma_start3A_459] : memref<4x!tpu.dma_semaphore, #tpu.memory_space<semaphore_mem>> -> memref<1x!tpu.dma_semaphore, #tpu.memory_space<semaphore_mem>>
      %dma_start3A_471 = tpu.memref_squeeze %dma_start3A_470 : memref<1x!tpu.dma_semaphore, #tpu.memory_space<semaphore_mem>> -> memref<!tpu.dma_semaphore, #tpu.memory_space<semaphore_mem>>
      tpu.enqueue_indirect_dma source(%dma_start3A_469 : memref<100000x64xf32, #tpu.memory_space<hbm>>) target(%dma_start3A_463 : memref<256x64xf32, #tpu.memory_space<vmem>>) offsets(%dma_start3A_466 : memref<256xi32, #tpu.memory_space<vmem>>) semaphore(%dma_start3A_471 : memref<!tpu.dma_semaphore, #tpu.memory_space<semaphore_mem>>)
      %add3A_472 = arith.constant 1 : i32
      %add3A_473 = arith.addi %mul3A_283, %add3A_472 : i32
      %mul3A_474 = arith.constant 256 : i32
      %mul3A_475 = arith.muli %add3A_473, %mul3A_474 : i32
      %add3A_476 = arith.addi %mul3A_2, %mul3A_475 : i32
      %dma_wait3A_477 = arith.constant 1 : i32
      %dma_wait3A_478 = arith.constant 1 : i32
      %dma_wait3A_479 = arith.constant 0 : i32
      %dma_wait3A_480 = arith.constant 0 : i32
      %dma_wait3A_481 = tpu.memref_slice %arg6[%dma_wait3A_477, %dma_wait3A_479, %dma_wait3A_480] : memref<4x256x64xf32, #tpu.memory_space<vmem>> -> memref<1x256x64xf32, #tpu.memory_space<vmem>>
      %dma_wait3A_482 = tpu.memref_squeeze %dma_wait3A_481 : memref<1x256x64xf32, #tpu.memory_space<vmem>> -> memref<256x64xf32, #tpu.memory_space<vmem>>
      %dma_wait3A_483 = arith.constant 0 : i32
      %dma_wait3A_484 = tpu.memref_slice %arg4[%add3A_476, %dma_wait3A_483] : memref<819200x64xf32, #tpu.memory_space<hbm>> -> memref<256x64xf32, #tpu.memory_space<hbm>>
      %dma_wait3A_485 = tpu.memref_slice %arg8[%dma_wait3A_478] : memref<4x!tpu.dma_semaphore, #tpu.memory_space<semaphore_mem>> -> memref<1x!tpu.dma_semaphore, #tpu.memory_space<semaphore_mem>>
      %dma_wait3A_486 = tpu.memref_squeeze %dma_wait3A_485 : memref<1x!tpu.dma_semaphore, #tpu.memory_space<semaphore_mem>> -> memref<!tpu.dma_semaphore, #tpu.memory_space<semaphore_mem>>
      %dma_wait3A_487 = arith.constant 0 : i32
      %dma_wait3A_488 = tpu.memref_slice %arg4[%add3A_476, %dma_wait3A_487] : memref<819200x64xf32, #tpu.memory_space<hbm>> -> memref<256x64xf32, #tpu.memory_space<hbm>>
      %dma_wait3A_489 = arith.constant 0 : i32
      %dma_wait3A_490 = arith.constant 0 : i32
      %dma_wait3A_491 = tpu.memref_slice %arg6[%dma_wait3A_477, %dma_wait3A_489, %dma_wait3A_490] : memref<4x256x64xf32, #tpu.memory_space<vmem>> -> memref<1x256x64xf32, #tpu.memory_space<vmem>>
      %dma_wait3A_492 = tpu.memref_squeeze %dma_wait3A_491 : memref<1x256x64xf32, #tpu.memory_space<vmem>> -> memref<256x64xf32, #tpu.memory_space<vmem>>
      tpu.wait_dma2 semaphore(%dma_wait3A_486 : memref<!tpu.dma_semaphore, #tpu.memory_space<semaphore_mem>>) src(%dma_wait3A_492 : memref<256x64xf32, #tpu.memory_space<vmem>>) dst(%dma_wait3A_488 : memref<256x64xf32, #tpu.memory_space<hbm>>)
      %add3A_493 = arith.constant 1 : i32
      %add3A_494 = arith.addi %mul3A_283, %add3A_493 : i32
      %add3A_495 = arith.constant 4 : i32
      %add3A_496 = arith.addi %add3A_494, %add3A_495 : i32
      %mul3A_497 = arith.constant 256 : i32
      %mul3A_498 = arith.muli %add3A_496, %mul3A_497 : i32
      %add3A_499 = arith.addi %mul3A_2, %mul3A_498 : i32
      %run_scoped3A_500 = arith.constant 1 : i32
      "tpu.region"() ({
        %run_scoped3A_604 = tpu.sem_alloc : memref<!tpu.dma_semaphore, #tpu.memory_space<semaphore_mem>>
        %dma_start3A_605 = arith.constant 0 : i32
        %dma_start3A_606 = tpu.memref_slice %arg5[%run_scoped3A_500, %dma_start3A_605] : memref<4x256xi32, #tpu.memory_space<vmem>> -> memref<1x256xi32, #tpu.memory_space<vmem>>
        %dma_start3A_607 = tpu.memref_squeeze %dma_start3A_606 : memref<1x256xi32, #tpu.memory_space<vmem>> -> memref<256xi32, #tpu.memory_space<vmem>>
        %dma_start3A_608 = tpu.memref_slice %arg2[%add3A_499] : memref<819200xi32, #tpu.memory_space<hbm>> -> memref<256xi32, #tpu.memory_space<hbm>>
        %dma_start3A_609 = arith.constant 0 : i32
        %dma_start3A_610 = tpu.memref_slice %arg5[%run_scoped3A_500, %dma_start3A_609] : memref<4x256xi32, #tpu.memory_space<vmem>> -> memref<1x256xi32, #tpu.memory_space<vmem>>
        %dma_start3A_611 = tpu.memref_squeeze %dma_start3A_610 : memref<1x256xi32, #tpu.memory_space<vmem>> -> memref<256xi32, #tpu.memory_space<vmem>>
        %dma_start3A_612 = tpu.memref_slice %arg2[%add3A_499] : memref<819200xi32, #tpu.memory_space<hbm>> -> memref<256xi32, #tpu.memory_space<hbm>>
        tpu.enqueue_dma source(%dma_start3A_612 : memref<256xi32, #tpu.memory_space<hbm>>) target(%dma_start3A_611 : memref<256xi32, #tpu.memory_space<vmem>>) target_semaphore(%run_scoped3A_604 : memref<!tpu.dma_semaphore, #tpu.memory_space<semaphore_mem>>)
        %dma_wait3A_613 = arith.constant 0 : i32
        %dma_wait3A_614 = tpu.memref_slice %arg5[%run_scoped3A_500, %dma_wait3A_613] : memref<4x256xi32, #tpu.memory_space<vmem>> -> memref<1x256xi32, #tpu.memory_space<vmem>>
        %dma_wait3A_615 = tpu.memref_squeeze %dma_wait3A_614 : memref<1x256xi32, #tpu.memory_space<vmem>> -> memref<256xi32, #tpu.memory_space<vmem>>
        %dma_wait3A_616 = tpu.memref_slice %arg2[%add3A_499] : memref<819200xi32, #tpu.memory_space<hbm>> -> memref<256xi32, #tpu.memory_space<hbm>>
        %dma_wait3A_617 = arith.constant 0 : i32
        %dma_wait3A_618 = tpu.memref_slice %arg5[%run_scoped3A_500, %dma_wait3A_617] : memref<4x256xi32, #tpu.memory_space<vmem>> -> memref<1x256xi32, #tpu.memory_space<vmem>>
        %dma_wait3A_619 = tpu.memref_squeeze %dma_wait3A_618 : memref<1x256xi32, #tpu.memory_space<vmem>> -> memref<256xi32, #tpu.memory_space<vmem>>
        %dma_wait3A_620 = tpu.memref_slice %arg2[%add3A_499] : memref<819200xi32, #tpu.memory_space<hbm>> -> memref<256xi32, #tpu.memory_space<hbm>>
        tpu.wait_dma2 semaphore(%run_scoped3A_604 : memref<!tpu.dma_semaphore, #tpu.memory_space<semaphore_mem>>) src(%dma_wait3A_620 : memref<256xi32, #tpu.memory_space<hbm>>) dst(%dma_wait3A_619 : memref<256xi32, #tpu.memory_space<vmem>>)
        tpu.yield
      }) : () -> ()
      %dma_start3A_501 = arith.constant 1 : i32
      %dma_start3A_502 = arith.constant 1 : i32
      %dma_start3A_503 = arith.constant 1 : i32
      %dma_start3A_504 = arith.constant 0 : i32
      %dma_start3A_505 = arith.constant 0 : i32
      %dma_start3A_506 = tpu.memref_slice %arg6[%dma_start3A_502, %dma_start3A_504, %dma_start3A_505] : memref<4x256x64xf32, #tpu.memory_space<vmem>> -> memref<1x256x64xf32, #tpu.memory_space<vmem>>
      %dma_start3A_507 = tpu.memref_squeeze %dma_start3A_506 : memref<1x256x64xf32, #tpu.memory_space<vmem>> -> memref<256x64xf32, #tpu.memory_space<vmem>>
      %dma_start3A_508 = arith.constant 0 : i32
      %dma_start3A_509 = tpu.memref_slice %arg5[%dma_start3A_501, %dma_start3A_508] : memref<4x256xi32, #tpu.memory_space<vmem>> -> memref<1x256xi32, #tpu.memory_space<vmem>>
      %dma_start3A_510 = tpu.memref_squeeze %dma_start3A_509 : memref<1x256xi32, #tpu.memory_space<vmem>> -> memref<256xi32, #tpu.memory_space<vmem>>
      %dma_start3A_511 = arith.constant 0 : i32
      %dma_start3A_512 = arith.constant 0 : i32
      %dma_start3A_513 = tpu.memref_slice %arg3[%dma_start3A_511, %dma_start3A_512] : memref<100000x64xf32, #tpu.memory_space<hbm>> -> memref<100000x64xf32, #tpu.memory_space<hbm>>
      %dma_start3A_514 = tpu.memref_slice %arg7[%dma_start3A_503] : memref<4x!tpu.dma_semaphore, #tpu.memory_space<semaphore_mem>> -> memref<1x!tpu.dma_semaphore, #tpu.memory_space<semaphore_mem>>
      %dma_start3A_515 = tpu.memref_squeeze %dma_start3A_514 : memref<1x!tpu.dma_semaphore, #tpu.memory_space<semaphore_mem>> -> memref<!tpu.dma_semaphore, #tpu.memory_space<semaphore_mem>>
      tpu.enqueue_indirect_dma source(%dma_start3A_513 : memref<100000x64xf32, #tpu.memory_space<hbm>>) target(%dma_start3A_507 : memref<256x64xf32, #tpu.memory_space<vmem>>) offsets(%dma_start3A_510 : memref<256xi32, #tpu.memory_space<vmem>>) semaphore(%dma_start3A_515 : memref<!tpu.dma_semaphore, #tpu.memory_space<semaphore_mem>>)
      %add3A_516 = arith.constant 2 : i32
      %add3A_517 = arith.addi %mul3A_283, %add3A_516 : i32
      %mul3A_518 = arith.constant 256 : i32
      %mul3A_519 = arith.muli %add3A_517, %mul3A_518 : i32
      %add3A_520 = arith.addi %mul3A_2, %mul3A_519 : i32
      %dma_wait3A_521 = arith.constant 2 : i32
      %dma_wait3A_522 = arith.constant 2 : i32
      %dma_wait3A_523 = arith.constant 0 : i32
      %dma_wait3A_524 = arith.constant 0 : i32
      %dma_wait3A_525 = tpu.memref_slice %arg6[%dma_wait3A_521, %dma_wait3A_523, %dma_wait3A_524] : memref<4x256x64xf32, #tpu.memory_space<vmem>> -> memref<1x256x64xf32, #tpu.memory_space<vmem>>
      %dma_wait3A_526 = tpu.memref_squeeze %dma_wait3A_525 : memref<1x256x64xf32, #tpu.memory_space<vmem>> -> memref<256x64xf32, #tpu.memory_space<vmem>>
      %dma_wait3A_527 = arith.constant 0 : i32
      %dma_wait3A_528 = tpu.memref_slice %arg4[%add3A_520, %dma_wait3A_527] : memref<819200x64xf32, #tpu.memory_space<hbm>> -> memref<256x64xf32, #tpu.memory_space<hbm>>
      %dma_wait3A_529 = tpu.memref_slice %arg8[%dma_wait3A_522] : memref<4x!tpu.dma_semaphore, #tpu.memory_space<semaphore_mem>> -> memref<1x!tpu.dma_semaphore, #tpu.memory_space<semaphore_mem>>
      %dma_wait3A_530 = tpu.memref_squeeze %dma_wait3A_529 : memref<1x!tpu.dma_semaphore, #tpu.memory_space<semaphore_mem>> -> memref<!tpu.dma_semaphore, #tpu.memory_space<semaphore_mem>>
      %dma_wait3A_531 = arith.constant 0 : i32
      %dma_wait3A_532 = tpu.memref_slice %arg4[%add3A_520, %dma_wait3A_531] : memref<819200x64xf32, #tpu.memory_space<hbm>> -> memref<256x64xf32, #tpu.memory_space<hbm>>
      %dma_wait3A_533 = arith.constant 0 : i32
      %dma_wait3A_534 = arith.constant 0 : i32
      %dma_wait3A_535 = tpu.memref_slice %arg6[%dma_wait3A_521, %dma_wait3A_533, %dma_wait3A_534] : memref<4x256x64xf32, #tpu.memory_space<vmem>> -> memref<1x256x64xf32, #tpu.memory_space<vmem>>
      %dma_wait3A_536 = tpu.memref_squeeze %dma_wait3A_535 : memref<1x256x64xf32, #tpu.memory_space<vmem>> -> memref<256x64xf32, #tpu.memory_space<vmem>>
      tpu.wait_dma2 semaphore(%dma_wait3A_530 : memref<!tpu.dma_semaphore, #tpu.memory_space<semaphore_mem>>) src(%dma_wait3A_536 : memref<256x64xf32, #tpu.memory_space<vmem>>) dst(%dma_wait3A_532 : memref<256x64xf32, #tpu.memory_space<hbm>>)
      %add3A_537 = arith.constant 2 : i32
      %add3A_538 = arith.addi %mul3A_283, %add3A_537 : i32
      %add3A_539 = arith.constant 4 : i32
      %add3A_540 = arith.addi %add3A_538, %add3A_539 : i32
      %mul3A_541 = arith.constant 256 : i32
      %mul3A_542 = arith.muli %add3A_540, %mul3A_541 : i32
      %add3A_543 = arith.addi %mul3A_2, %mul3A_542 : i32
      %run_scoped3A_544 = arith.constant 2 : i32
      "tpu.region"() ({
        %run_scoped3A_604 = tpu.sem_alloc : memref<!tpu.dma_semaphore, #tpu.memory_space<semaphore_mem>>
        %dma_start3A_605 = arith.constant 0 : i32
        %dma_start3A_606 = tpu.memref_slice %arg5[%run_scoped3A_544, %dma_start3A_605] : memref<4x256xi32, #tpu.memory_space<vmem>> -> memref<1x256xi32, #tpu.memory_space<vmem>>
        %dma_start3A_607 = tpu.memref_squeeze %dma_start3A_606 : memref<1x256xi32, #tpu.memory_space<vmem>> -> memref<256xi32, #tpu.memory_space<vmem>>
        %dma_start3A_608 = tpu.memref_slice %arg2[%add3A_543] : memref<819200xi32, #tpu.memory_space<hbm>> -> memref<256xi32, #tpu.memory_space<hbm>>
        %dma_start3A_609 = arith.constant 0 : i32
        %dma_start3A_610 = tpu.memref_slice %arg5[%run_scoped3A_544, %dma_start3A_609] : memref<4x256xi32, #tpu.memory_space<vmem>> -> memref<1x256xi32, #tpu.memory_space<vmem>>
        %dma_start3A_611 = tpu.memref_squeeze %dma_start3A_610 : memref<1x256xi32, #tpu.memory_space<vmem>> -> memref<256xi32, #tpu.memory_space<vmem>>
        %dma_start3A_612 = tpu.memref_slice %arg2[%add3A_543] : memref<819200xi32, #tpu.memory_space<hbm>> -> memref<256xi32, #tpu.memory_space<hbm>>
        tpu.enqueue_dma source(%dma_start3A_612 : memref<256xi32, #tpu.memory_space<hbm>>) target(%dma_start3A_611 : memref<256xi32, #tpu.memory_space<vmem>>) target_semaphore(%run_scoped3A_604 : memref<!tpu.dma_semaphore, #tpu.memory_space<semaphore_mem>>)
        %dma_wait3A_613 = arith.constant 0 : i32
        %dma_wait3A_614 = tpu.memref_slice %arg5[%run_scoped3A_544, %dma_wait3A_613] : memref<4x256xi32, #tpu.memory_space<vmem>> -> memref<1x256xi32, #tpu.memory_space<vmem>>
        %dma_wait3A_615 = tpu.memref_squeeze %dma_wait3A_614 : memref<1x256xi32, #tpu.memory_space<vmem>> -> memref<256xi32, #tpu.memory_space<vmem>>
        %dma_wait3A_616 = tpu.memref_slice %arg2[%add3A_543] : memref<819200xi32, #tpu.memory_space<hbm>> -> memref<256xi32, #tpu.memory_space<hbm>>
        %dma_wait3A_617 = arith.constant 0 : i32
        %dma_wait3A_618 = tpu.memref_slice %arg5[%run_scoped3A_544, %dma_wait3A_617] : memref<4x256xi32, #tpu.memory_space<vmem>> -> memref<1x256xi32, #tpu.memory_space<vmem>>
        %dma_wait3A_619 = tpu.memref_squeeze %dma_wait3A_618 : memref<1x256xi32, #tpu.memory_space<vmem>> -> memref<256xi32, #tpu.memory_space<vmem>>
        %dma_wait3A_620 = tpu.memref_slice %arg2[%add3A_543] : memref<819200xi32, #tpu.memory_space<hbm>> -> memref<256xi32, #tpu.memory_space<hbm>>
        tpu.wait_dma2 semaphore(%run_scoped3A_604 : memref<!tpu.dma_semaphore, #tpu.memory_space<semaphore_mem>>) src(%dma_wait3A_620 : memref<256xi32, #tpu.memory_space<hbm>>) dst(%dma_wait3A_619 : memref<256xi32, #tpu.memory_space<vmem>>)
        tpu.yield
      }) : () -> ()
      %dma_start3A_545 = arith.constant 2 : i32
      %dma_start3A_546 = arith.constant 2 : i32
      %dma_start3A_547 = arith.constant 2 : i32
      %dma_start3A_548 = arith.constant 0 : i32
      %dma_start3A_549 = arith.constant 0 : i32
      %dma_start3A_550 = tpu.memref_slice %arg6[%dma_start3A_546, %dma_start3A_548, %dma_start3A_549] : memref<4x256x64xf32, #tpu.memory_space<vmem>> -> memref<1x256x64xf32, #tpu.memory_space<vmem>>
      %dma_start3A_551 = tpu.memref_squeeze %dma_start3A_550 : memref<1x256x64xf32, #tpu.memory_space<vmem>> -> memref<256x64xf32, #tpu.memory_space<vmem>>
      %dma_start3A_552 = arith.constant 0 : i32
      %dma_start3A_553 = tpu.memref_slice %arg5[%dma_start3A_545, %dma_start3A_552] : memref<4x256xi32, #tpu.memory_space<vmem>> -> memref<1x256xi32, #tpu.memory_space<vmem>>
      %dma_start3A_554 = tpu.memref_squeeze %dma_start3A_553 : memref<1x256xi32, #tpu.memory_space<vmem>> -> memref<256xi32, #tpu.memory_space<vmem>>
      %dma_start3A_555 = arith.constant 0 : i32
      %dma_start3A_556 = arith.constant 0 : i32
      %dma_start3A_557 = tpu.memref_slice %arg3[%dma_start3A_555, %dma_start3A_556] : memref<100000x64xf32, #tpu.memory_space<hbm>> -> memref<100000x64xf32, #tpu.memory_space<hbm>>
      %dma_start3A_558 = tpu.memref_slice %arg7[%dma_start3A_547] : memref<4x!tpu.dma_semaphore, #tpu.memory_space<semaphore_mem>> -> memref<1x!tpu.dma_semaphore, #tpu.memory_space<semaphore_mem>>
      %dma_start3A_559 = tpu.memref_squeeze %dma_start3A_558 : memref<1x!tpu.dma_semaphore, #tpu.memory_space<semaphore_mem>> -> memref<!tpu.dma_semaphore, #tpu.memory_space<semaphore_mem>>
      tpu.enqueue_indirect_dma source(%dma_start3A_557 : memref<100000x64xf32, #tpu.memory_space<hbm>>) target(%dma_start3A_551 : memref<256x64xf32, #tpu.memory_space<vmem>>) offsets(%dma_start3A_554 : memref<256xi32, #tpu.memory_space<vmem>>) semaphore(%dma_start3A_559 : memref<!tpu.dma_semaphore, #tpu.memory_space<semaphore_mem>>)
      %add3A_560 = arith.constant 3 : i32
      %add3A_561 = arith.addi %mul3A_283, %add3A_560 : i32
      %mul3A_562 = arith.constant 256 : i32
      %mul3A_563 = arith.muli %add3A_561, %mul3A_562 : i32
      %add3A_564 = arith.addi %mul3A_2, %mul3A_563 : i32
      %dma_wait3A_565 = arith.constant 3 : i32
      %dma_wait3A_566 = arith.constant 3 : i32
      %dma_wait3A_567 = arith.constant 0 : i32
      %dma_wait3A_568 = arith.constant 0 : i32
      %dma_wait3A_569 = tpu.memref_slice %arg6[%dma_wait3A_565, %dma_wait3A_567, %dma_wait3A_568] : memref<4x256x64xf32, #tpu.memory_space<vmem>> -> memref<1x256x64xf32, #tpu.memory_space<vmem>>
      %dma_wait3A_570 = tpu.memref_squeeze %dma_wait3A_569 : memref<1x256x64xf32, #tpu.memory_space<vmem>> -> memref<256x64xf32, #tpu.memory_space<vmem>>
      %dma_wait3A_571 = arith.constant 0 : i32
      %dma_wait3A_572 = tpu.memref_slice %arg4[%add3A_564, %dma_wait3A_571] : memref<819200x64xf32, #tpu.memory_space<hbm>> -> memref<256x64xf32, #tpu.memory_space<hbm>>
      %dma_wait3A_573 = tpu.memref_slice %arg8[%dma_wait3A_566] : memref<4x!tpu.dma_semaphore, #tpu.memory_space<semaphore_mem>> -> memref<1x!tpu.dma_semaphore, #tpu.memory_space<semaphore_mem>>
      %dma_wait3A_574 = tpu.memref_squeeze %dma_wait3A_573 : memref<1x!tpu.dma_semaphore, #tpu.memory_space<semaphore_mem>> -> memref<!tpu.dma_semaphore, #tpu.memory_space<semaphore_mem>>
      %dma_wait3A_575 = arith.constant 0 : i32
      %dma_wait3A_576 = tpu.memref_slice %arg4[%add3A_564, %dma_wait3A_575] : memref<819200x64xf32, #tpu.memory_space<hbm>> -> memref<256x64xf32, #tpu.memory_space<hbm>>
      %dma_wait3A_577 = arith.constant 0 : i32
      %dma_wait3A_578 = arith.constant 0 : i32
      %dma_wait3A_579 = tpu.memref_slice %arg6[%dma_wait3A_565, %dma_wait3A_577, %dma_wait3A_578] : memref<4x256x64xf32, #tpu.memory_space<vmem>> -> memref<1x256x64xf32, #tpu.memory_space<vmem>>
      %dma_wait3A_580 = tpu.memref_squeeze %dma_wait3A_579 : memref<1x256x64xf32, #tpu.memory_space<vmem>> -> memref<256x64xf32, #tpu.memory_space<vmem>>
      tpu.wait_dma2 semaphore(%dma_wait3A_574 : memref<!tpu.dma_semaphore, #tpu.memory_space<semaphore_mem>>) src(%dma_wait3A_580 : memref<256x64xf32, #tpu.memory_space<vmem>>) dst(%dma_wait3A_576 : memref<256x64xf32, #tpu.memory_space<hbm>>)
      %add3A_581 = arith.constant 3 : i32
      %add3A_582 = arith.addi %mul3A_283, %add3A_581 : i32
      %add3A_583 = arith.constant 4 : i32
      %add3A_584 = arith.addi %add3A_582, %add3A_583 : i32
      %mul3A_585 = arith.constant 256 : i32
      %mul3A_586 = arith.muli %add3A_584, %mul3A_585 : i32
      %add3A_587 = arith.addi %mul3A_2, %mul3A_586 : i32
      %run_scoped3A_588 = arith.constant 3 : i32
      "tpu.region"() ({
        %run_scoped3A_604 = tpu.sem_alloc : memref<!tpu.dma_semaphore, #tpu.memory_space<semaphore_mem>>
        %dma_start3A_605 = arith.constant 0 : i32
        %dma_start3A_606 = tpu.memref_slice %arg5[%run_scoped3A_588, %dma_start3A_605] : memref<4x256xi32, #tpu.memory_space<vmem>> -> memref<1x256xi32, #tpu.memory_space<vmem>>
        %dma_start3A_607 = tpu.memref_squeeze %dma_start3A_606 : memref<1x256xi32, #tpu.memory_space<vmem>> -> memref<256xi32, #tpu.memory_space<vmem>>
        %dma_start3A_608 = tpu.memref_slice %arg2[%add3A_587] : memref<819200xi32, #tpu.memory_space<hbm>> -> memref<256xi32, #tpu.memory_space<hbm>>
        %dma_start3A_609 = arith.constant 0 : i32
        %dma_start3A_610 = tpu.memref_slice %arg5[%run_scoped3A_588, %dma_start3A_609] : memref<4x256xi32, #tpu.memory_space<vmem>> -> memref<1x256xi32, #tpu.memory_space<vmem>>
        %dma_start3A_611 = tpu.memref_squeeze %dma_start3A_610 : memref<1x256xi32, #tpu.memory_space<vmem>> -> memref<256xi32, #tpu.memory_space<vmem>>
        %dma_start3A_612 = tpu.memref_slice %arg2[%add3A_587] : memref<819200xi32, #tpu.memory_space<hbm>> -> memref<256xi32, #tpu.memory_space<hbm>>
        tpu.enqueue_dma source(%dma_start3A_612 : memref<256xi32, #tpu.memory_space<hbm>>) target(%dma_start3A_611 : memref<256xi32, #tpu.memory_space<vmem>>) target_semaphore(%run_scoped3A_604 : memref<!tpu.dma_semaphore, #tpu.memory_space<semaphore_mem>>)
        %dma_wait3A_613 = arith.constant 0 : i32
        %dma_wait3A_614 = tpu.memref_slice %arg5[%run_scoped3A_588, %dma_wait3A_613] : memref<4x256xi32, #tpu.memory_space<vmem>> -> memref<1x256xi32, #tpu.memory_space<vmem>>
        %dma_wait3A_615 = tpu.memref_squeeze %dma_wait3A_614 : memref<1x256xi32, #tpu.memory_space<vmem>> -> memref<256xi32, #tpu.memory_space<vmem>>
        %dma_wait3A_616 = tpu.memref_slice %arg2[%add3A_587] : memref<819200xi32, #tpu.memory_space<hbm>> -> memref<256xi32, #tpu.memory_space<hbm>>
        %dma_wait3A_617 = arith.constant 0 : i32
        %dma_wait3A_618 = tpu.memref_slice %arg5[%run_scoped3A_588, %dma_wait3A_617] : memref<4x256xi32, #tpu.memory_space<vmem>> -> memref<1x256xi32, #tpu.memory_space<vmem>>
        %dma_wait3A_619 = tpu.memref_squeeze %dma_wait3A_618 : memref<1x256xi32, #tpu.memory_space<vmem>> -> memref<256xi32, #tpu.memory_space<vmem>>
        %dma_wait3A_620 = tpu.memref_slice %arg2[%add3A_587] : memref<819200xi32, #tpu.memory_space<hbm>> -> memref<256xi32, #tpu.memory_space<hbm>>
        tpu.wait_dma2 semaphore(%run_scoped3A_604 : memref<!tpu.dma_semaphore, #tpu.memory_space<semaphore_mem>>) src(%dma_wait3A_620 : memref<256xi32, #tpu.memory_space<hbm>>) dst(%dma_wait3A_619 : memref<256xi32, #tpu.memory_space<vmem>>)
        tpu.yield
      }) : () -> ()
      %dma_start3A_589 = arith.constant 3 : i32
      %dma_start3A_590 = arith.constant 3 : i32
      %dma_start3A_591 = arith.constant 3 : i32
      %dma_start3A_592 = arith.constant 0 : i32
      %dma_start3A_593 = arith.constant 0 : i32
      %dma_start3A_594 = tpu.memref_slice %arg6[%dma_start3A_590, %dma_start3A_592, %dma_start3A_593] : memref<4x256x64xf32, #tpu.memory_space<vmem>> -> memref<1x256x64xf32, #tpu.memory_space<vmem>>
      %dma_start3A_595 = tpu.memref_squeeze %dma_start3A_594 : memref<1x256x64xf32, #tpu.memory_space<vmem>> -> memref<256x64xf32, #tpu.memory_space<vmem>>
      %dma_start3A_596 = arith.constant 0 : i32
      %dma_start3A_597 = tpu.memref_slice %arg5[%dma_start3A_589, %dma_start3A_596] : memref<4x256xi32, #tpu.memory_space<vmem>> -> memref<1x256xi32, #tpu.memory_space<vmem>>
      %dma_start3A_598 = tpu.memref_squeeze %dma_start3A_597 : memref<1x256xi32, #tpu.memory_space<vmem>> -> memref<256xi32, #tpu.memory_space<vmem>>
      %dma_start3A_599 = arith.constant 0 : i32
      %dma_start3A_600 = arith.constant 0 : i32
      %dma_start3A_601 = tpu.memref_slice %arg3[%dma_start3A_599, %dma_start3A_600] : memref<100000x64xf32, #tpu.memory_space<hbm>> -> memref<100000x64xf32, #tpu.memory_space<hbm>>
      %dma_start3A_602 = tpu.memref_slice %arg7[%dma_start3A_591] : memref<4x!tpu.dma_semaphore, #tpu.memory_space<semaphore_mem>> -> memref<1x!tpu.dma_semaphore, #tpu.memory_space<semaphore_mem>>
      %dma_start3A_603 = tpu.memref_squeeze %dma_start3A_602 : memref<1x!tpu.dma_semaphore, #tpu.memory_space<semaphore_mem>> -> memref<!tpu.dma_semaphore, #tpu.memory_space<semaphore_mem>>
      tpu.enqueue_indirect_dma source(%dma_start3A_601 : memref<100000x64xf32, #tpu.memory_space<hbm>>) target(%dma_start3A_595 : memref<256x64xf32, #tpu.memory_space<vmem>>) offsets(%dma_start3A_598 : memref<256xi32, #tpu.memory_space<vmem>>) semaphore(%dma_start3A_603 : memref<!tpu.dma_semaphore, #tpu.memory_space<semaphore_mem>>)
    }
    %scan3A_77 = arith.constant 24 : i32
    %dma_wait3A = arith.constant 0 : i32
    %dma_wait3A_78 = arith.constant 0 : i32
    %dma_wait3A_79 = arith.constant 0 : i32
    %dma_wait3A_80 = arith.constant 0 : i32
    %dma_wait3A_81 = arith.constant 0 : i32
    %dma_wait3A_82 = tpu.memref_slice %arg6[%dma_wait3A_78, %dma_wait3A_80, %dma_wait3A_81] : memref<4x256x64xf32, #tpu.memory_space<vmem>> -> memref<1x256x64xf32, #tpu.memory_space<vmem>>
    %dma_wait3A_83 = tpu.memref_squeeze %dma_wait3A_82 : memref<1x256x64xf32, #tpu.memory_space<vmem>> -> memref<256x64xf32, #tpu.memory_space<vmem>>
    %dma_wait3A_84 = arith.constant 0 : i32
    %dma_wait3A_85 = tpu.memref_slice %arg5[%dma_wait3A, %dma_wait3A_84] : memref<4x256xi32, #tpu.memory_space<vmem>> -> memref<1x256xi32, #tpu.memory_space<vmem>>
    %dma_wait3A_86 = tpu.memref_squeeze %dma_wait3A_85 : memref<1x256xi32, #tpu.memory_space<vmem>> -> memref<256xi32, #tpu.memory_space<vmem>>
    %dma_wait3A_87 = arith.constant 0 : i32
    %dma_wait3A_88 = arith.constant 0 : i32
    %dma_wait3A_89 = tpu.memref_slice %arg3[%dma_wait3A_87, %dma_wait3A_88] : memref<100000x64xf32, #tpu.memory_space<hbm>> -> memref<100000x64xf32, #tpu.memory_space<hbm>>
    %dma_wait3A_90 = tpu.memref_slice %arg7[%dma_wait3A_79] : memref<4x!tpu.dma_semaphore, #tpu.memory_space<semaphore_mem>> -> memref<1x!tpu.dma_semaphore, #tpu.memory_space<semaphore_mem>>
    %dma_wait3A_91 = tpu.memref_squeeze %dma_wait3A_90 : memref<1x!tpu.dma_semaphore, #tpu.memory_space<semaphore_mem>> -> memref<!tpu.dma_semaphore, #tpu.memory_space<semaphore_mem>>
    tpu.wait_indirect_dma semaphore(%dma_wait3A_91 : memref<!tpu.dma_semaphore, #tpu.memory_space<semaphore_mem>>) src(%dma_wait3A_89 : memref<100000x64xf32, #tpu.memory_space<hbm>>) dst(%dma_wait3A_83 : memref<256x64xf32, #tpu.memory_space<vmem>>)
    %add3A_92 = arith.constant 24576 : i32
    %add3A_93 = arith.addi %mul3A_2, %add3A_92 : i32
    %dma_start3A_94 = arith.constant 0 : i32
    %dma_start3A_95 = arith.constant 0 : i32
    %dma_start3A_96 = arith.constant 0 : i32
    %dma_start3A_97 = arith.constant 0 : i32
    %dma_start3A_98 = tpu.memref_slice %arg6[%dma_start3A_94, %dma_start3A_96, %dma_start3A_97] : memref<4x256x64xf32, #tpu.memory_space<vmem>> -> memref<1x256x64xf32, #tpu.memory_space<vmem>>
    %dma_start3A_99 = tpu.memref_squeeze %dma_start3A_98 : memref<1x256x64xf32, #tpu.memory_space<vmem>> -> memref<256x64xf32, #tpu.memory_space<vmem>>
    %dma_start3A_100 = arith.constant 0 : i32
    %dma_start3A_101 = tpu.memref_slice %arg4[%add3A_93, %dma_start3A_100] : memref<819200x64xf32, #tpu.memory_space<hbm>> -> memref<256x64xf32, #tpu.memory_space<hbm>>
    %dma_start3A_102 = tpu.memref_slice %arg8[%dma_start3A_95] : memref<4x!tpu.dma_semaphore, #tpu.memory_space<semaphore_mem>> -> memref<1x!tpu.dma_semaphore, #tpu.memory_space<semaphore_mem>>
    %dma_start3A_103 = tpu.memref_squeeze %dma_start3A_102 : memref<1x!tpu.dma_semaphore, #tpu.memory_space<semaphore_mem>> -> memref<!tpu.dma_semaphore, #tpu.memory_space<semaphore_mem>>
    %dma_start3A_104 = arith.constant 0 : i32
    %dma_start3A_105 = tpu.memref_slice %arg4[%add3A_93, %dma_start3A_104] : memref<819200x64xf32, #tpu.memory_space<hbm>> -> memref<256x64xf32, #tpu.memory_space<hbm>>
    %dma_start3A_106 = arith.constant 0 : i32
    %dma_start3A_107 = arith.constant 0 : i32
    %dma_start3A_108 = tpu.memref_slice %arg6[%dma_start3A_94, %dma_start3A_106, %dma_start3A_107] : memref<4x256x64xf32, #tpu.memory_space<vmem>> -> memref<1x256x64xf32, #tpu.memory_space<vmem>>
    %dma_start3A_109 = tpu.memref_squeeze %dma_start3A_108 : memref<1x256x64xf32, #tpu.memory_space<vmem>> -> memref<256x64xf32, #tpu.memory_space<vmem>>
    tpu.enqueue_dma source(%dma_start3A_109 : memref<256x64xf32, #tpu.memory_space<vmem>>) target(%dma_start3A_105 : memref<256x64xf32, #tpu.memory_space<hbm>>) target_semaphore(%dma_start3A_103 : memref<!tpu.dma_semaphore, #tpu.memory_space<semaphore_mem>>)
    %dma_wait3A_110 = arith.constant 1 : i32
    %dma_wait3A_111 = arith.constant 1 : i32
    %dma_wait3A_112 = arith.constant 1 : i32
    %dma_wait3A_113 = arith.constant 0 : i32
    %dma_wait3A_114 = arith.constant 0 : i32
    %dma_wait3A_115 = tpu.memref_slice %arg6[%dma_wait3A_111, %dma_wait3A_113, %dma_wait3A_114] : memref<4x256x64xf32, #tpu.memory_space<vmem>> -> memref<1x256x64xf32, #tpu.memory_space<vmem>>
    %dma_wait3A_116 = tpu.memref_squeeze %dma_wait3A_115 : memref<1x256x64xf32, #tpu.memory_space<vmem>> -> memref<256x64xf32, #tpu.memory_space<vmem>>
    %dma_wait3A_117 = arith.constant 0 : i32
    %dma_wait3A_118 = tpu.memref_slice %arg5[%dma_wait3A_110, %dma_wait3A_117] : memref<4x256xi32, #tpu.memory_space<vmem>> -> memref<1x256xi32, #tpu.memory_space<vmem>>
    %dma_wait3A_119 = tpu.memref_squeeze %dma_wait3A_118 : memref<1x256xi32, #tpu.memory_space<vmem>> -> memref<256xi32, #tpu.memory_space<vmem>>
    %dma_wait3A_120 = arith.constant 0 : i32
    %dma_wait3A_121 = arith.constant 0 : i32
    %dma_wait3A_122 = tpu.memref_slice %arg3[%dma_wait3A_120, %dma_wait3A_121] : memref<100000x64xf32, #tpu.memory_space<hbm>> -> memref<100000x64xf32, #tpu.memory_space<hbm>>
    %dma_wait3A_123 = tpu.memref_slice %arg7[%dma_wait3A_112] : memref<4x!tpu.dma_semaphore, #tpu.memory_space<semaphore_mem>> -> memref<1x!tpu.dma_semaphore, #tpu.memory_space<semaphore_mem>>
    %dma_wait3A_124 = tpu.memref_squeeze %dma_wait3A_123 : memref<1x!tpu.dma_semaphore, #tpu.memory_space<semaphore_mem>> -> memref<!tpu.dma_semaphore, #tpu.memory_space<semaphore_mem>>
    tpu.wait_indirect_dma semaphore(%dma_wait3A_124 : memref<!tpu.dma_semaphore, #tpu.memory_space<semaphore_mem>>) src(%dma_wait3A_122 : memref<100000x64xf32, #tpu.memory_space<hbm>>) dst(%dma_wait3A_116 : memref<256x64xf32, #tpu.memory_space<vmem>>)
    %add3A_125 = arith.constant 24832 : i32
    %add3A_126 = arith.addi %mul3A_2, %add3A_125 : i32
    %dma_start3A_127 = arith.constant 1 : i32
    %dma_start3A_128 = arith.constant 1 : i32
    %dma_start3A_129 = arith.constant 0 : i32
    %dma_start3A_130 = arith.constant 0 : i32
    %dma_start3A_131 = tpu.memref_slice %arg6[%dma_start3A_127, %dma_start3A_129, %dma_start3A_130] : memref<4x256x64xf32, #tpu.memory_space<vmem>> -> memref<1x256x64xf32, #tpu.memory_space<vmem>>
    %dma_start3A_132 = tpu.memref_squeeze %dma_start3A_131 : memref<1x256x64xf32, #tpu.memory_space<vmem>> -> memref<256x64xf32, #tpu.memory_space<vmem>>
    %dma_start3A_133 = arith.constant 0 : i32
    %dma_start3A_134 = tpu.memref_slice %arg4[%add3A_126, %dma_start3A_133] : memref<819200x64xf32, #tpu.memory_space<hbm>> -> memref<256x64xf32, #tpu.memory_space<hbm>>
    %dma_start3A_135 = tpu.memref_slice %arg8[%dma_start3A_128] : memref<4x!tpu.dma_semaphore, #tpu.memory_space<semaphore_mem>> -> memref<1x!tpu.dma_semaphore, #tpu.memory_space<semaphore_mem>>
    %dma_start3A_136 = tpu.memref_squeeze %dma_start3A_135 : memref<1x!tpu.dma_semaphore, #tpu.memory_space<semaphore_mem>> -> memref<!tpu.dma_semaphore, #tpu.memory_space<semaphore_mem>>
    %dma_start3A_137 = arith.constant 0 : i32
    %dma_start3A_138 = tpu.memref_slice %arg4[%add3A_126, %dma_start3A_137] : memref<819200x64xf32, #tpu.memory_space<hbm>> -> memref<256x64xf32, #tpu.memory_space<hbm>>
    %dma_start3A_139 = arith.constant 0 : i32
    %dma_start3A_140 = arith.constant 0 : i32
    %dma_start3A_141 = tpu.memref_slice %arg6[%dma_start3A_127, %dma_start3A_139, %dma_start3A_140] : memref<4x256x64xf32, #tpu.memory_space<vmem>> -> memref<1x256x64xf32, #tpu.memory_space<vmem>>
    %dma_start3A_142 = tpu.memref_squeeze %dma_start3A_141 : memref<1x256x64xf32, #tpu.memory_space<vmem>> -> memref<256x64xf32, #tpu.memory_space<vmem>>
    tpu.enqueue_dma source(%dma_start3A_142 : memref<256x64xf32, #tpu.memory_space<vmem>>) target(%dma_start3A_138 : memref<256x64xf32, #tpu.memory_space<hbm>>) target_semaphore(%dma_start3A_136 : memref<!tpu.dma_semaphore, #tpu.memory_space<semaphore_mem>>)
    %dma_wait3A_143 = arith.constant 2 : i32
    %dma_wait3A_144 = arith.constant 2 : i32
    %dma_wait3A_145 = arith.constant 2 : i32
    %dma_wait3A_146 = arith.constant 0 : i32
    %dma_wait3A_147 = arith.constant 0 : i32
    %dma_wait3A_148 = tpu.memref_slice %arg6[%dma_wait3A_144, %dma_wait3A_146, %dma_wait3A_147] : memref<4x256x64xf32, #tpu.memory_space<vmem>> -> memref<1x256x64xf32, #tpu.memory_space<vmem>>
    %dma_wait3A_149 = tpu.memref_squeeze %dma_wait3A_148 : memref<1x256x64xf32, #tpu.memory_space<vmem>> -> memref<256x64xf32, #tpu.memory_space<vmem>>
    %dma_wait3A_150 = arith.constant 0 : i32
    %dma_wait3A_151 = tpu.memref_slice %arg5[%dma_wait3A_143, %dma_wait3A_150] : memref<4x256xi32, #tpu.memory_space<vmem>> -> memref<1x256xi32, #tpu.memory_space<vmem>>
    %dma_wait3A_152 = tpu.memref_squeeze %dma_wait3A_151 : memref<1x256xi32, #tpu.memory_space<vmem>> -> memref<256xi32, #tpu.memory_space<vmem>>
    %dma_wait3A_153 = arith.constant 0 : i32
    %dma_wait3A_154 = arith.constant 0 : i32
    %dma_wait3A_155 = tpu.memref_slice %arg3[%dma_wait3A_153, %dma_wait3A_154] : memref<100000x64xf32, #tpu.memory_space<hbm>> -> memref<100000x64xf32, #tpu.memory_space<hbm>>
    %dma_wait3A_156 = tpu.memref_slice %arg7[%dma_wait3A_145] : memref<4x!tpu.dma_semaphore, #tpu.memory_space<semaphore_mem>> -> memref<1x!tpu.dma_semaphore, #tpu.memory_space<semaphore_mem>>
    %dma_wait3A_157 = tpu.memref_squeeze %dma_wait3A_156 : memref<1x!tpu.dma_semaphore, #tpu.memory_space<semaphore_mem>> -> memref<!tpu.dma_semaphore, #tpu.memory_space<semaphore_mem>>
    tpu.wait_indirect_dma semaphore(%dma_wait3A_157 : memref<!tpu.dma_semaphore, #tpu.memory_space<semaphore_mem>>) src(%dma_wait3A_155 : memref<100000x64xf32, #tpu.memory_space<hbm>>) dst(%dma_wait3A_149 : memref<256x64xf32, #tpu.memory_space<vmem>>)
    %add3A_158 = arith.constant 25088 : i32
    %add3A_159 = arith.addi %mul3A_2, %add3A_158 : i32
    %dma_start3A_160 = arith.constant 2 : i32
    %dma_start3A_161 = arith.constant 2 : i32
    %dma_start3A_162 = arith.constant 0 : i32
    %dma_start3A_163 = arith.constant 0 : i32
    %dma_start3A_164 = tpu.memref_slice %arg6[%dma_start3A_160, %dma_start3A_162, %dma_start3A_163] : memref<4x256x64xf32, #tpu.memory_space<vmem>> -> memref<1x256x64xf32, #tpu.memory_space<vmem>>
    %dma_start3A_165 = tpu.memref_squeeze %dma_start3A_164 : memref<1x256x64xf32, #tpu.memory_space<vmem>> -> memref<256x64xf32, #tpu.memory_space<vmem>>
    %dma_start3A_166 = arith.constant 0 : i32
    %dma_start3A_167 = tpu.memref_slice %arg4[%add3A_159, %dma_start3A_166] : memref<819200x64xf32, #tpu.memory_space<hbm>> -> memref<256x64xf32, #tpu.memory_space<hbm>>
    %dma_start3A_168 = tpu.memref_slice %arg8[%dma_start3A_161] : memref<4x!tpu.dma_semaphore, #tpu.memory_space<semaphore_mem>> -> memref<1x!tpu.dma_semaphore, #tpu.memory_space<semaphore_mem>>
    %dma_start3A_169 = tpu.memref_squeeze %dma_start3A_168 : memref<1x!tpu.dma_semaphore, #tpu.memory_space<semaphore_mem>> -> memref<!tpu.dma_semaphore, #tpu.memory_space<semaphore_mem>>
    %dma_start3A_170 = arith.constant 0 : i32
    %dma_start3A_171 = tpu.memref_slice %arg4[%add3A_159, %dma_start3A_170] : memref<819200x64xf32, #tpu.memory_space<hbm>> -> memref<256x64xf32, #tpu.memory_space<hbm>>
    %dma_start3A_172 = arith.constant 0 : i32
    %dma_start3A_173 = arith.constant 0 : i32
    %dma_start3A_174 = tpu.memref_slice %arg6[%dma_start3A_160, %dma_start3A_172, %dma_start3A_173] : memref<4x256x64xf32, #tpu.memory_space<vmem>> -> memref<1x256x64xf32, #tpu.memory_space<vmem>>
    %dma_start3A_175 = tpu.memref_squeeze %dma_start3A_174 : memref<1x256x64xf32, #tpu.memory_space<vmem>> -> memref<256x64xf32, #tpu.memory_space<vmem>>
    tpu.enqueue_dma source(%dma_start3A_175 : memref<256x64xf32, #tpu.memory_space<vmem>>) target(%dma_start3A_171 : memref<256x64xf32, #tpu.memory_space<hbm>>) target_semaphore(%dma_start3A_169 : memref<!tpu.dma_semaphore, #tpu.memory_space<semaphore_mem>>)
    %dma_wait3A_176 = arith.constant 3 : i32
    %dma_wait3A_177 = arith.constant 3 : i32
    %dma_wait3A_178 = arith.constant 3 : i32
    %dma_wait3A_179 = arith.constant 0 : i32
    %dma_wait3A_180 = arith.constant 0 : i32
    %dma_wait3A_181 = tpu.memref_slice %arg6[%dma_wait3A_177, %dma_wait3A_179, %dma_wait3A_180] : memref<4x256x64xf32, #tpu.memory_space<vmem>> -> memref<1x256x64xf32, #tpu.memory_space<vmem>>
    %dma_wait3A_182 = tpu.memref_squeeze %dma_wait3A_181 : memref<1x256x64xf32, #tpu.memory_space<vmem>> -> memref<256x64xf32, #tpu.memory_space<vmem>>
    %dma_wait3A_183 = arith.constant 0 : i32
    %dma_wait3A_184 = tpu.memref_slice %arg5[%dma_wait3A_176, %dma_wait3A_183] : memref<4x256xi32, #tpu.memory_space<vmem>> -> memref<1x256xi32, #tpu.memory_space<vmem>>
    %dma_wait3A_185 = tpu.memref_squeeze %dma_wait3A_184 : memref<1x256xi32, #tpu.memory_space<vmem>> -> memref<256xi32, #tpu.memory_space<vmem>>
    %dma_wait3A_186 = arith.constant 0 : i32
    %dma_wait3A_187 = arith.constant 0 : i32
    %dma_wait3A_188 = tpu.memref_slice %arg3[%dma_wait3A_186, %dma_wait3A_187] : memref<100000x64xf32, #tpu.memory_space<hbm>> -> memref<100000x64xf32, #tpu.memory_space<hbm>>
    %dma_wait3A_189 = tpu.memref_slice %arg7[%dma_wait3A_178] : memref<4x!tpu.dma_semaphore, #tpu.memory_space<semaphore_mem>> -> memref<1x!tpu.dma_semaphore, #tpu.memory_space<semaphore_mem>>
    %dma_wait3A_190 = tpu.memref_squeeze %dma_wait3A_189 : memref<1x!tpu.dma_semaphore, #tpu.memory_space<semaphore_mem>> -> memref<!tpu.dma_semaphore, #tpu.memory_space<semaphore_mem>>
    tpu.wait_indirect_dma semaphore(%dma_wait3A_190 : memref<!tpu.dma_semaphore, #tpu.memory_space<semaphore_mem>>) src(%dma_wait3A_188 : memref<100000x64xf32, #tpu.memory_space<hbm>>) dst(%dma_wait3A_182 : memref<256x64xf32, #tpu.memory_space<vmem>>)
    %add3A_191 = arith.constant 25344 : i32
    %add3A_192 = arith.addi %mul3A_2, %add3A_191 : i32
    %dma_start3A_193 = arith.constant 3 : i32
    %dma_start3A_194 = arith.constant 3 : i32
    %dma_start3A_195 = arith.constant 0 : i32
    %dma_start3A_196 = arith.constant 0 : i32
    %dma_start3A_197 = tpu.memref_slice %arg6[%dma_start3A_193, %dma_start3A_195, %dma_start3A_196] : memref<4x256x64xf32, #tpu.memory_space<vmem>> -> memref<1x256x64xf32, #tpu.memory_space<vmem>>
    %dma_start3A_198 = tpu.memref_squeeze %dma_start3A_197 : memref<1x256x64xf32, #tpu.memory_space<vmem>> -> memref<256x64xf32, #tpu.memory_space<vmem>>
    %dma_start3A_199 = arith.constant 0 : i32
    %dma_start3A_200 = tpu.memref_slice %arg4[%add3A_192, %dma_start3A_199] : memref<819200x64xf32, #tpu.memory_space<hbm>> -> memref<256x64xf32, #tpu.memory_space<hbm>>
    %dma_start3A_201 = tpu.memref_slice %arg8[%dma_start3A_194] : memref<4x!tpu.dma_semaphore, #tpu.memory_space<semaphore_mem>> -> memref<1x!tpu.dma_semaphore, #tpu.memory_space<semaphore_mem>>
    %dma_start3A_202 = tpu.memref_squeeze %dma_start3A_201 : memref<1x!tpu.dma_semaphore, #tpu.memory_space<semaphore_mem>> -> memref<!tpu.dma_semaphore, #tpu.memory_space<semaphore_mem>>
    %dma_start3A_203 = arith.constant 0 : i32
    %dma_start3A_204 = tpu.memref_slice %arg4[%add3A_192, %dma_start3A_203] : memref<819200x64xf32, #tpu.memory_space<hbm>> -> memref<256x64xf32, #tpu.memory_space<hbm>>
    %dma_start3A_205 = arith.constant 0 : i32
    %dma_start3A_206 = arith.constant 0 : i32
    %dma_start3A_207 = tpu.memref_slice %arg6[%dma_start3A_193, %dma_start3A_205, %dma_start3A_206] : memref<4x256x64xf32, #tpu.memory_space<vmem>> -> memref<1x256x64xf32, #tpu.memory_space<vmem>>
    %dma_start3A_208 = tpu.memref_squeeze %dma_start3A_207 : memref<1x256x64xf32, #tpu.memory_space<vmem>> -> memref<256x64xf32, #tpu.memory_space<vmem>>
    tpu.enqueue_dma source(%dma_start3A_208 : memref<256x64xf32, #tpu.memory_space<vmem>>) target(%dma_start3A_204 : memref<256x64xf32, #tpu.memory_space<hbm>>) target_semaphore(%dma_start3A_202 : memref<!tpu.dma_semaphore, #tpu.memory_space<semaphore_mem>>)
    %add3A_209 = arith.constant 24576 : i32
    %add3A_210 = arith.addi %mul3A_2, %add3A_209 : i32
    %dma_wait3A_211 = arith.constant 0 : i32
    %dma_wait3A_212 = arith.constant 0 : i32
    %dma_wait3A_213 = arith.constant 0 : i32
    %dma_wait3A_214 = arith.constant 0 : i32
    %dma_wait3A_215 = tpu.memref_slice %arg6[%dma_wait3A_211, %dma_wait3A_213, %dma_wait3A_214] : memref<4x256x64xf32, #tpu.memory_space<vmem>> -> memref<1x256x64xf32, #tpu.memory_space<vmem>>
    %dma_wait3A_216 = tpu.memref_squeeze %dma_wait3A_215 : memref<1x256x64xf32, #tpu.memory_space<vmem>> -> memref<256x64xf32, #tpu.memory_space<vmem>>
    %dma_wait3A_217 = arith.constant 0 : i32
    %dma_wait3A_218 = tpu.memref_slice %arg4[%add3A_210, %dma_wait3A_217] : memref<819200x64xf32, #tpu.memory_space<hbm>> -> memref<256x64xf32, #tpu.memory_space<hbm>>
    %dma_wait3A_219 = tpu.memref_slice %arg8[%dma_wait3A_212] : memref<4x!tpu.dma_semaphore, #tpu.memory_space<semaphore_mem>> -> memref<1x!tpu.dma_semaphore, #tpu.memory_space<semaphore_mem>>
    %dma_wait3A_220 = tpu.memref_squeeze %dma_wait3A_219 : memref<1x!tpu.dma_semaphore, #tpu.memory_space<semaphore_mem>> -> memref<!tpu.dma_semaphore, #tpu.memory_space<semaphore_mem>>
    %dma_wait3A_221 = arith.constant 0 : i32
    %dma_wait3A_222 = tpu.memref_slice %arg4[%add3A_210, %dma_wait3A_221] : memref<819200x64xf32, #tpu.memory_space<hbm>> -> memref<256x64xf32, #tpu.memory_space<hbm>>
    %dma_wait3A_223 = arith.constant 0 : i32
    %dma_wait3A_224 = arith.constant 0 : i32
    %dma_wait3A_225 = tpu.memref_slice %arg6[%dma_wait3A_211, %dma_wait3A_223, %dma_wait3A_224] : memref<4x256x64xf32, #tpu.memory_space<vmem>> -> memref<1x256x64xf32, #tpu.memory_space<vmem>>
    %dma_wait3A_226 = tpu.memref_squeeze %dma_wait3A_225 : memref<1x256x64xf32, #tpu.memory_space<vmem>> -> memref<256x64xf32, #tpu.memory_space<vmem>>
    tpu.wait_dma2 semaphore(%dma_wait3A_220 : memref<!tpu.dma_semaphore, #tpu.memory_space<semaphore_mem>>) src(%dma_wait3A_226 : memref<256x64xf32, #tpu.memory_space<vmem>>) dst(%dma_wait3A_222 : memref<256x64xf32, #tpu.memory_space<hbm>>)
    %add3A_227 = arith.constant 24832 : i32
    %add3A_228 = arith.addi %mul3A_2, %add3A_227 : i32
    %dma_wait3A_229 = arith.constant 1 : i32
    %dma_wait3A_230 = arith.constant 1 : i32
    %dma_wait3A_231 = arith.constant 0 : i32
    %dma_wait3A_232 = arith.constant 0 : i32
    %dma_wait3A_233 = tpu.memref_slice %arg6[%dma_wait3A_229, %dma_wait3A_231, %dma_wait3A_232] : memref<4x256x64xf32, #tpu.memory_space<vmem>> -> memref<1x256x64xf32, #tpu.memory_space<vmem>>
    %dma_wait3A_234 = tpu.memref_squeeze %dma_wait3A_233 : memref<1x256x64xf32, #tpu.memory_space<vmem>> -> memref<256x64xf32, #tpu.memory_space<vmem>>
    %dma_wait3A_235 = arith.constant 0 : i32
    %dma_wait3A_236 = tpu.memref_slice %arg4[%add3A_228, %dma_wait3A_235] : memref<819200x64xf32, #tpu.memory_space<hbm>> -> memref<256x64xf32, #tpu.memory_space<hbm>>
    %dma_wait3A_237 = tpu.memref_slice %arg8[%dma_wait3A_230] : memref<4x!tpu.dma_semaphore, #tpu.memory_space<semaphore_mem>> -> memref<1x!tpu.dma_semaphore, #tpu.memory_space<semaphore_mem>>
    %dma_wait3A_238 = tpu.memref_squeeze %dma_wait3A_237 : memref<1x!tpu.dma_semaphore, #tpu.memory_space<semaphore_mem>> -> memref<!tpu.dma_semaphore, #tpu.memory_space<semaphore_mem>>
    %dma_wait3A_239 = arith.constant 0 : i32
    %dma_wait3A_240 = tpu.memref_slice %arg4[%add3A_228, %dma_wait3A_239] : memref<819200x64xf32, #tpu.memory_space<hbm>> -> memref<256x64xf32, #tpu.memory_space<hbm>>
    %dma_wait3A_241 = arith.constant 0 : i32
    %dma_wait3A_242 = arith.constant 0 : i32
    %dma_wait3A_243 = tpu.memref_slice %arg6[%dma_wait3A_229, %dma_wait3A_241, %dma_wait3A_242] : memref<4x256x64xf32, #tpu.memory_space<vmem>> -> memref<1x256x64xf32, #tpu.memory_space<vmem>>
    %dma_wait3A_244 = tpu.memref_squeeze %dma_wait3A_243 : memref<1x256x64xf32, #tpu.memory_space<vmem>> -> memref<256x64xf32, #tpu.memory_space<vmem>>
    tpu.wait_dma2 semaphore(%dma_wait3A_238 : memref<!tpu.dma_semaphore, #tpu.memory_space<semaphore_mem>>) src(%dma_wait3A_244 : memref<256x64xf32, #tpu.memory_space<vmem>>) dst(%dma_wait3A_240 : memref<256x64xf32, #tpu.memory_space<hbm>>)
    %add3A_245 = arith.constant 25088 : i32
    %add3A_246 = arith.addi %mul3A_2, %add3A_245 : i32
    %dma_wait3A_247 = arith.constant 2 : i32
    %dma_wait3A_248 = arith.constant 2 : i32
    %dma_wait3A_249 = arith.constant 0 : i32
    %dma_wait3A_250 = arith.constant 0 : i32
    %dma_wait3A_251 = tpu.memref_slice %arg6[%dma_wait3A_247, %dma_wait3A_249, %dma_wait3A_250] : memref<4x256x64xf32, #tpu.memory_space<vmem>> -> memref<1x256x64xf32, #tpu.memory_space<vmem>>
    %dma_wait3A_252 = tpu.memref_squeeze %dma_wait3A_251 : memref<1x256x64xf32, #tpu.memory_space<vmem>> -> memref<256x64xf32, #tpu.memory_space<vmem>>
    %dma_wait3A_253 = arith.constant 0 : i32
    %dma_wait3A_254 = tpu.memref_slice %arg4[%add3A_246, %dma_wait3A_253] : memref<819200x64xf32, #tpu.memory_space<hbm>> -> memref<256x64xf32, #tpu.memory_space<hbm>>
    %dma_wait3A_255 = tpu.memref_slice %arg8[%dma_wait3A_248] : memref<4x!tpu.dma_semaphore, #tpu.memory_space<semaphore_mem>> -> memref<1x!tpu.dma_semaphore, #tpu.memory_space<semaphore_mem>>
    %dma_wait3A_256 = tpu.memref_squeeze %dma_wait3A_255 : memref<1x!tpu.dma_semaphore, #tpu.memory_space<semaphore_mem>> -> memref<!tpu.dma_semaphore, #tpu.memory_space<semaphore_mem>>
    %dma_wait3A_257 = arith.constant 0 : i32
    %dma_wait3A_258 = tpu.memref_slice %arg4[%add3A_246, %dma_wait3A_257] : memref<819200x64xf32, #tpu.memory_space<hbm>> -> memref<256x64xf32, #tpu.memory_space<hbm>>
    %dma_wait3A_259 = arith.constant 0 : i32
    %dma_wait3A_260 = arith.constant 0 : i32
    %dma_wait3A_261 = tpu.memref_slice %arg6[%dma_wait3A_247, %dma_wait3A_259, %dma_wait3A_260] : memref<4x256x64xf32, #tpu.memory_space<vmem>> -> memref<1x256x64xf32, #tpu.memory_space<vmem>>
    %dma_wait3A_262 = tpu.memref_squeeze %dma_wait3A_261 : memref<1x256x64xf32, #tpu.memory_space<vmem>> -> memref<256x64xf32, #tpu.memory_space<vmem>>
    tpu.wait_dma2 semaphore(%dma_wait3A_256 : memref<!tpu.dma_semaphore, #tpu.memory_space<semaphore_mem>>) src(%dma_wait3A_262 : memref<256x64xf32, #tpu.memory_space<vmem>>) dst(%dma_wait3A_258 : memref<256x64xf32, #tpu.memory_space<hbm>>)
    %add3A_263 = arith.constant 25344 : i32
    %add3A_264 = arith.addi %mul3A_2, %add3A_263 : i32
    %dma_wait3A_265 = arith.constant 3 : i32
    %dma_wait3A_266 = arith.constant 3 : i32
    %dma_wait3A_267 = arith.constant 0 : i32
    %dma_wait3A_268 = arith.constant 0 : i32
    %dma_wait3A_269 = tpu.memref_slice %arg6[%dma_wait3A_265, %dma_wait3A_267, %dma_wait3A_268] : memref<4x256x64xf32, #tpu.memory_space<vmem>> -> memref<1x256x64xf32, #tpu.memory_space<vmem>>
    %dma_wait3A_270 = tpu.memref_squeeze %dma_wait3A_269 : memref<1x256x64xf32, #tpu.memory_space<vmem>> -> memref<256x64xf32, #tpu.memory_space<vmem>>
    %dma_wait3A_271 = arith.constant 0 : i32
    %dma_wait3A_272 = tpu.memref_slice %arg4[%add3A_264, %dma_wait3A_271] : memref<819200x64xf32, #tpu.memory_space<hbm>> -> memref<256x64xf32, #tpu.memory_space<hbm>>
    %dma_wait3A_273 = tpu.memref_slice %arg8[%dma_wait3A_266] : memref<4x!tpu.dma_semaphore, #tpu.memory_space<semaphore_mem>> -> memref<1x!tpu.dma_semaphore, #tpu.memory_space<semaphore_mem>>
    %dma_wait3A_274 = tpu.memref_squeeze %dma_wait3A_273 : memref<1x!tpu.dma_semaphore, #tpu.memory_space<semaphore_mem>> -> memref<!tpu.dma_semaphore, #tpu.memory_space<semaphore_mem>>
    %dma_wait3A_275 = arith.constant 0 : i32
    %dma_wait3A_276 = tpu.memref_slice %arg4[%add3A_264, %dma_wait3A_275] : memref<819200x64xf32, #tpu.memory_space<hbm>> -> memref<256x64xf32, #tpu.memory_space<hbm>>
    %dma_wait3A_277 = arith.constant 0 : i32
    %dma_wait3A_278 = arith.constant 0 : i32
    %dma_wait3A_279 = tpu.memref_slice %arg6[%dma_wait3A_265, %dma_wait3A_277, %dma_wait3A_278] : memref<4x256x64xf32, #tpu.memory_space<vmem>> -> memref<1x256x64xf32, #tpu.memory_space<vmem>>
    %dma_wait3A_280 = tpu.memref_squeeze %dma_wait3A_279 : memref<1x256x64xf32, #tpu.memory_space<vmem>> -> memref<256x64xf32, #tpu.memory_space<vmem>>
    tpu.wait_dma2 semaphore(%dma_wait3A_274 : memref<!tpu.dma_semaphore, #tpu.memory_space<semaphore_mem>>) src(%dma_wait3A_280 : memref<256x64xf32, #tpu.memory_space<vmem>>) dst(%dma_wait3A_276 : memref<256x64xf32, #tpu.memory_space<hbm>>)
    return
  }
}

</mosaic_0001>

<sc_bundles>
// kernel: kernel.3.cloned.1.call-start
scs
__scs_entry_jumppad:
0x0: {  	(pc) =	sbr.rel $0x88, $3  }
0x1: {  	(tag) =	ssettag $0x0;
	lr =	simm.s32 $0x1  }
0x2: {  	[smem:$0x3F9F] =	sst lr;
	_ =	strace $0xD0000000  }
0x3: {  	_ = 	snop  }
0x4: {  	_ = 	snop  }
0x5: {  	_ = 	snop  }
0x6: {  	_ = 	snop  }
0x7: {  	_ = 	snop  }
__scs_overlays_trampoline_lowered:
0x8: {  	[smem:$0x3FAE] =	sst s0  }
0x9: {  	[smem:$0x3FAF] =	sst s1  }
0xa: {  	[smem:$0x3FB0] =	sst s2  }
0xb: {  	[smem:$0x3FB1] =	sst s3  }
0xc: {  	[smem:$0x3FB2] =	sst s4  }
0xd: {  	[smem:$0x3FB3] =	sst s5  }
0xe: {  	[smem:$0x3FB4] =	sst s6  }
0xf: {  	[smem:$0x3FB5] =	sst s7  }
0x10: {  	[smem:$0x3FB6] =	sst s8  }
0x11: {  	[smem:$0x3FB7] =	sst s9;
	s0 =	simm.s32 @!p0 $0x0  }
0x12: {  	s1 =	sld [smem:$0x3F9D];
	s0 =	simm.s32 @p0 $0x1  }
0x13: {  	[smem:$0x3FB8] =	sst s0;
	s0 =	simm.s32 @!p1 $0x0  }
0x14: {  	s2 =	sld [smem:$0x3F9C];
	s0 =	simm.s32 @p1 $0x1  }
0x15: {  	[smem:$0x3FB9] =	sst s0;
	s0 =	simm.s32 @!p2 $0x0  }
0x16: {  	s3 =	sld [smem:$0x3FDB];
	s0 =	simm.s32 @p2 $0x1  }
0x17: {  	s4 =	simm.s32 $0x1BF5;
	[smem:$0x3FBB] =	sst s0  }
0x18: {  	s0 =	sld [smem:$0x3F9E];
	_ =	swait.ge [sflag:s4], $0x0  }
0x19: {  	s7 =	sld [smem:$0x3F9F]  }
0x1a: {  	s8 =	sadd.s32 $0xFFFFE003, lr  }
0x1b: {  	s9 =	sadd.s32 $0xFFFFFEF7, lr;
	s5 =	simm.s32 $0xFFFFFFFF;
	p2 =	slt.u32 s8, $0xFFFFF086  }
0x1c: {  	p1 =	slt.u32 s9, $0xF7A;
	s5 =	simm.s32 @!p2 $0x0  }
0x1d: {  	s5 =	simm.s32 @p1 $0x1;
	p0 =	seq.s32 s7, s2  }
0x1e: {  	s7 =	smul.u32 @!p0 $0xF7A, s2;
	p2 =	seq.s32 @!p0 s5, $0x0  }
0x1f: {  	s9 =	smul.u32 $0xF7A, s1;
	s8 =	simm.s32 @!p0 $0x1BF5;
	p2 =	por !p2, p0  }
0x20: {  	[sflag:s8] =	ssyncset.s32 @!p0 $0xFFFFF086;
	s6 =	sadd.s32 @!p0 s3, s7;
	s7 =	simm.s32 @!p0 $0x108  }
0x21: {  	s3 =	sadd.s32 s3, s9;
	s6 =	sadd.s32 @!p0 $0x88, s6;
	s7 =	simm.s32 @p2 $0x1082  }
0x22: {  	[simem:s7], [sflag:s8] =	dma.local @!p0 [hbm:s6], $0xF7A  }
0x23: {  	s9 =	sor.u32 $0xD0000000, s2;
	s6 =	simm.s32 $0x108;
	_ =	swait.ge @!p0 [sflag:s8], $0x0  }
0x24: {  	s3 =	sadd.s32 $0x88, s3;
	s6 =	simm.s32 @!p1 $0x1082;
	[sflag:s4] =	ssyncset.s32 $0xFFFFF086  }
0x25: {  	[simem:s6], [sflag:s4] =	dma.local [hbm:s3], $0xF7A  }
0x26: {  	[smem:$0x3F9F] =	sst s1;
	(tag) =	ssettag s2;
	_ =	strace s9  }
0x27: {  	s1 =	sld [smem:$0x3FAF]  }
0x28: {  	s2 =	sld [smem:$0x3FB0]  }
0x29: {  	s4 =	sld [smem:$0x3FB2]  }
0x2a: {  	p0 =	seq.s32 s5, $0x0;
	s5 =	sld [smem:$0x3FB3]  }
0x2b: {  	s6 =	sld [smem:$0x3FB4]  }
0x2c: {  	s7 =	sld [smem:$0x3FB5]  }
0x2d: {  	s3 =	simm.s32 $0x108;
	s8 =	sld [smem:$0x3FB6]  }
0x2e: {  	s3 =	simm.s32 @!p0 $0x1082;
	s9 =	sld [smem:$0x3FB7]  }
0x2f: {  	lr =	sadd.s32 s0, s3;
	s0 =	sld [smem:$0x3FAE]  }
0x30: {  	s3 =	sld [smem:$0x3FB1]  }
0x31: {  	[smem:$0x3FBA] =	sst s10  }
0x32: {  	s10 =	sld [smem:$0x3FB8];
	_ =	sdelay $0x3  }
0x33: {  	p0 =	seq.s32 s10, $0x1;
	s10 =	sld [smem:$0x3FBA];
	_ =	sdelay $0x3  }
0x34: {  	[smem:$0x3FBA] =	sst s10  }
0x35: {  	s10 =	sld [smem:$0x3FB9];
	_ =	sdelay $0x3  }
0x36: {  	p1 =	seq.s32 s10, $0x1;
	s10 =	sld [smem:$0x3FBA];
	_ =	sdelay $0x3  }
0x37: {  	[smem:$0x3FBA] =	sst s10  }
0x38: {  	s10 =	sld [smem:$0x3FBB]  }
0x39: {  	_ = 	snop;
	(pc) =	sbr.ind lr, $3  }
0x3a: {  	_ = 	snop  }
0x3b: {  	_ = 	snop  }
0x3c: {  	p2 =	seq.s32 s10, $0x1;
	s10 =	sld [smem:$0x3FBA]  }
0x3d: {  	_ =	shalt  }
0x3e: {  	_ =	shalt  }
0x3f: {  	_ =	shalt  }
0x40: {  	_ =	shalt  }
0x41: {  	_ =	shalt  }
0x42: {  	_ =	shalt  }
0x43: {  	_ =	shalt  }
0x44: {  	_ =	shalt  }
0x45: {  	_ =	shalt  }
0x46: {  	_ =	shalt  }
0x47: {  	_ =	shalt  }
0x48: {  	_ =	shalt  }
0x49: {  	_ =	shalt  }
0x4a: {  	_ =	shalt  }
0x4b: {  	_ =	shalt  }
0x4c: {  	_ =	shalt  }
0x4d: {  	_ =	shalt  }
0x4e: {  	_ =	shalt  }
0x4f: {  	_ =	shalt  }
0x50: {  	_ =	shalt  }
0x51: {  	_ =	shalt  }
0x52: {  	_ =	shalt  }
0x53: {  	_ =	shalt  }
0x54: {  	_ =	shalt  }
0x55: {  	_ =	shalt  }
0x56: {  	_ =	shalt  }
0x57: {  	_ =	shalt  }
0x58: {  	_ =	shalt  }
0x59: {  	_ =	shalt  }
0x5a: {  	_ =	shalt  }
0x5b: {  	_ =	shalt  }
0x5c: {  	_ =	shalt  }
0x5d: {  	_ =	shalt  }
0x5e: {  	_ =	shalt  }
0x5f: {  	_ =	shalt  }
0x60: {  	_ =	shalt  }
0x61: {  	_ =	shalt  }
0x62: {  	_ =	shalt  }
0x63: {  	_ =	shalt  }
0x64: {  	_ =	shalt  }
0x65: {  	_ =	shalt  }
0x66: {  	_ =	shalt  }
0x67: {  	_ =	shalt  }
0x68: {  	_ =	shalt  }
0x69: {  	_ =	shalt  }
0x6a: {  	_ =	shalt  }
0x6b: {  	_ =	shalt  }
0x6c: {  	_ =	shalt  }
0x6d: {  	_ =	shalt  }
0x6e: {  	_ =	shalt  }
0x6f: {  	_ =	shalt  }
0x70: {  	_ =	shalt  }
0x71: {  	_ =	shalt  }
0x72: {  	_ =	shalt  }
0x73: {  	_ =	shalt  }
0x74: {  	_ =	shalt  }
0x75: {  	_ =	shalt  }
0x76: {  	_ =	shalt  }
0x77: {  	_ =	shalt  }
0x78: {  	_ =	shalt  }
0x79: {  	_ =	shalt  }
0x7a: {  	_ =	shalt  }
0x7b: {  	_ =	shalt  }
0x7c: {  	_ =	shalt  }
0x7d: {  	_ =	shalt  }
0x7e: {  	_ =	shalt  }
0x7f: {  	_ =	shalt  }
0x80: {  	_ =	shalt  }
0x81: {  	_ =	shalt  }
0x82: {  	_ =	shalt  }
0x83: {  	_ =	shalt  }
0x84: {  	_ =	shalt  }
0x85: {  	_ =	shalt  }
0x86: {  	_ =	shalt  }
0x87: {  	_ =	shalt  }
.Lfunc_end0:
.L_simem_size_0:
called_computation.1_lowered:
.L_overlay_start_0:
0x88: {  	s2 =	sld [smem:$0x3FD9]  }
0x89: {  	s3 =	sld [smem:$0x3FFE];
	_ =	sdelay $0x1  }
0x8a: {  	s1 =	srdreg.scid  }
0x8b: {  	s0 =	sand.u32 $0x1, s1  }
0x8c: {  	s17 =	sshll.u32 s0, $0xA;
	s2 =	sadd.s32 s3, s2  }
0x8d: {  	s2 =	sadd.s32 s2, s17  }
0x8e: {  	[smem:$0x3FC6] =	sst s2  }
0x8f: {  	_ = 	snop  }
0x90: {  	s2 =	sld [smem:$0x3FD0];
	(tm) =	ssettm $0x1  }
0x91: {  	s18 =	sld [smem:$0x3FFB];
	_ =	sdelay $0x3  }
0x92: {  	_ =	strace s18  }
0x93: {  	s3 =	sld [smem:$0x3FFC];
	_ =	sdelay $0x3  }
0x94: {  	_ =	strace s3  }
0x95: {  	s3 =	sld [smem:$0x3FFD];
	_ =	sdelay $0x3  }
0x96: {  	_ =	strace s3  }
0x97: {  	_ =	strace $0x8FFFFFFF  }
0x98: {  	s19 =	sld [smem:$0x3FDB];
	_ =	sdelay $0x1  }
0x99: {  	s4 =	simm.s32 $_scs_section_size  }
0x9a: {  	s5 =	simm.s32 $_size__tile_overlayer_lowered;
	s6 =	simm.s32 $_tile_overlayer_lowered  }
0x9b: {  	s22 =	simm.s32 $0x1BFF;
	s21 =	sshll.u32 s6, $0x1;
	s3 =	sadd.s32 s4, s19  }
0x9c: {  	s7 =	simm.s32 $0x0;
	s20 =	sshll.u32 s5, $0x1;
	s5 =	sadd.s32 s21, s3  }
0x9d: {  	[timem:s7], [sflag:s22] =	dma.local [hbm:s5], s20  }
0x9e: {  	_ =	swait.ge [sflag:s22], s20  }
0x9f: {  	s4 =	ssub.s32 $0x0, s20;
	[sflag:s22] =	ssyncset.done $0x0  }
0xa0: {  	[sflag:s22] =	ssyncadd.s32 s4;
	_ =	sdelay $0x1  }
0xa1: {  	s23 =	simm.s32 $0x1B8B  }
0xa2: {  	_ =	swait.ge [sflag:s23], $0x1  }
0xa3: {  	[sflag:s23] =	ssyncset.done $0x0  }
0xa4: {  	s25 =	simm.s32 $0x1B8E;
	s24 =	sld [smem:$0x3FFE];
	[sflag:s23] =	ssyncadd.s32 $0xFFFFFFFF  }
0xa5: {  	s26 =	simm.s32 $execute0_lowered;
	[smem:$0x3FD2] =	sst s25  }
0xa6: {  	s5 =	sshll.u32 s26, $0x1;
	_ =	strace $0x80000046;
	[dreg:$0x1] =	wrdreg $0xFFFFFFFF  }
0xa7: {  	s28 =	simm.s32 $_size_execute0_lowered;
	s3 =	sadd.s32 s3, s5;
	[dreg:$0x0] =	wrdreg $0x0  }
0xa8: {  	s5 =	sshll.u32 s28, $0x1;
	[dreg:$0x2] =	wrdreg s3  }
0xa9: {  	[dreg:$0x3] =	wrdreg s5  }
0xaa: {  	[dreg:$0x4] =	wrdreg $0xC0  }
0xab: {  	_ =	task [dreg:s7], $0x5FFFF  }
0xac: {  	[dreg:$0x1] =	wrdreg $0xFFFFFFFF  }
0xad: {  	[dreg:$0x0] =	wrdreg $0x60  }
0xae: {  	[dreg:$0x2] =	wrdreg s24  }
0xaf: {  	[dreg:$0x3] =	wrdreg s2  }
0xb0: {  	[dreg:$0x4] =	wrdreg $0x9  }
0xb1: {  	_ =	task.clear_ibuf [dreg:s7], $0x5FFFF;
	_ =	strace $0x90000046  }
0xb2: {  	s29 =	simm.s32 $0x9;
	_ =	strace $0x80000048  }
0xb3: {  	_ =	swait.ge [sflag:s29], $0x1  }
0xb4: {  	[sflag:s29] =	ssyncadd.s32 $0xFFFFFFFF  }
0xb5: {  	_ =	strace $0x90000048  }
0xb6: {  	_ =	sfence  }
0xb7: {  	s30 =	sld [smem:$0x0];
	_ =	sdelay $0x2  }
0xb8: {  	s31 =	sshll.u32 s1, $0xD;
	s1 =	sshrl.u32 s1, $0x2  }
0xb9: {  	s3 =	sand.u32 $0x4000, s31;
	s1 =	sadd.s32 s1, s30  }
0xba: {  	s0 =	sor.u32 s3, s0;
	s1 =	sshll.u32 s1, $0x11  }
0xbb: {  	s0 =	sor.u32 s1, s0  }
0xbc: {  	s0 =	sadd.s32 $0x8F2B, s0  }
0xbd: {  	[sflag:s0] =	ssyncadd.remote.s32 $0x1  }
0xbe: {  	_ =	sfence.sel $0xFFFF  }
0xbf: {  	[dreg:$0x0] =	wrdreg $0xFFFFFFFF;
	(pc) =	sbr.abs _section_cstart, $3  }
0xc0: {  	[dreg:$0x1] =	wrdreg $0xFFFFFFFF  }
0xc1: {  	_ =	task.clear_ibuf [dreg:s7], $0x2FFFF;
	_ =	strace $0x9FFFFFFF  }
0xc2: {  	(tm) =	ssettm $0x7FFFFFFF  }
0xc3: {  	_ =	shalt  }
tec
execute0_lowered:
.L_overlay_start_1:
0x0: {  	(tag) =	ssettag $0x1  }
0x1: {  	s0 =	rddreg [dreg:$0x0];
	s1 =	srdreg.scid  }
0x2: {  	s10 =	stileid.u32;
	s6 =	rddreg [dreg:$0x1]  }
0x3: {  	s2 =	simm.s32 $0x0;
	s28 =	simm.s32 $0x2;
	s12 =	smul.u32 $0x320000, s10  }
0x4: {  	s1 =	sand.u32 $0x1, s1;
	s3 =	sshll.u32 s10, $0x1;
	s10 =	smul.u32 $0xC800, s10  }
0x5: {  	s29 =	simm.s32 $0x3;
	s30 =	simm.s32 $0x4;
	s14 =	smul.u32 $0x190000, s1  }
0x6: {  	s5 =	sor.u32 s1, s3;
	s26 =	ssub.s32 $0x2, s1;
	s1 =	smul.u32 $0x6400, s1  }
0x7: {  	s31 =	simm.s32 $0x5;
	[smem:$0x7FF] =	sst s2;
	s7 =	smul.u32 $0x6400, s5  }
0x8: {  	s4 =	sadd.s32 $0x19800, s0;
	s8 =	smul.u32 $0x190000, s5;
	s9 =	sshrl.u32 s26, $0x1  }
0x9: {  	_ =	strace $0x80000047;
	s3 =	sadd.s32 $0x800, s0;
	s0 =	ssub.s32 s26, s9  }
0xa: {  	s1 =	sadd.s32 s1, s10;
	s7 =	sshrl.u32 s7, $0x3;
	s8 =	sshrl.u32 s8, $0x3  }
0xb: {  	s19 =	sadd.s32 $0x700, s1;
	s0 =	smax.u32 s0, $0x1;
	s21 =	sadd.s32 $0x600, s1  }
0xc: {  	s22 =	sshll.u32 s1, $0x3;
	s23 =	sadd.s32 $0x500, s1;
	s7 =	sadd.s32 s3, s7  }
0xd: {  	s8 =	sadd.s32 s6, s8;
	[dreg:$0xf] =	wrdreg s0;
	s20 =	sshrl.u32 s19, $0x3  }
0xe: {  	s0 =	sshrl.u32 s21, $0x3;
	s13 =	sadd.s32 $0x20, s7;
	[dreg:$0x7] =	wrdreg s7  }
0xf: {  	s24 =	sshrl.u32 s23, $0x3;
	s11 =	sadd.s32 $0x40, s7;
	[dreg:$0x8] =	wrdreg s13  }
0x10: {  	s19 =	simm.s32 $0x100;
	s5 =	sadd.s32 $0x60, s7;
	[dreg:$0x9] =	wrdreg s11  }
0x11: {  	s21 =	simm.s32 $0x4400;
	s15 =	sadd.s32 $0x30000, s8;
	[dreg:$0xa] =	wrdreg s5  }
0x12: {  	s23 =	simm.s32 $0x8400;
	s16 =	sadd.s32 $0x30800, s8;
	[dreg:$0xb] =	wrdreg s15  }
0x13: {  	s7 =	sadd.s32 s14, s12;
	s17 =	sadd.s32 $0x31000, s8;
	[dreg:$0xc] =	wrdreg s16  }
0x14: {  	s18 =	sadd.s32 $0x31800, s8;
	s14 =	sadd.s32 s20, s3;
	[dreg:$0xd] =	wrdreg s17  }
0x15: {  	s20 =	simm.s32 $0x400;
	s7 =	sshrl.u32 s7, $0x3;
	[dreg:$0xe] =	wrdreg s18  }
0x16: {  	s15 =	sadd.s32 s0, s3;
	s16 =	sadd.s32 s24, s3;
	s17 =	sadd.s32 $0x400, s1  }
0x17: {  	s18 =	simm.s32 $0x9;
	s7 =	sadd.s32 s7, s6;
	s6 =	sadd.s32 s22, s6  }
0x18: {  	s24 =	simm.s32 $0x300;
	[dreg:$0x3] =	wrdreg s7;
	s7 =	sadd.s32 $0x1800, s6  }
0x19: {  	s1 =	simm.s32 $0x6;
	s25 =	sadd.s32 $0x1000, s6;
	[dreg:$0x4] =	wrdreg s7  }
0x1a: {  	s0 =	simm.s32 $0x7;
	s26 =	sadd.s32 $0x800, s6;
	[dreg:$0x5] =	wrdreg s25  }
0x1b: {  	s22 =	simm.s32 $0x200;
	s6 =	simm.s32 $0x8;
	[dreg:$0x6] =	wrdreg s26  }
0x1c: {  	s25 =	simm.s32 $0xC400;
	s26 =	simm.s32 $0x1;
	s7 =	simm.s32 $0x0  }
.LBB2_1:
0x1d: {  	s5 =	rddreg [dreg:$0x7]  }
0x1e: {  	[tilespmem:s2], [sflag:$0x9] =	stream.linear.gather [hbm4b:s5+s2], $0x100, $0x38;
	[tilespmem:$0x10400] =	vst v63  }
0x1f: {  	_ =	swait.ge [sflag:s18], $0x100  }
0x20: {  	[sflag:s18] =	ssyncset.done $0x0  }
0x21: {  	[sflag:s18] =	ssyncadd.s32 $0xFFFFFF00  }
0x22: {  	[tilespmem:s20], [sflag:$0x1] =	stream.indirect.gather [hbm4b:s4+s19], $0x40, s2, s19, $0xb8;
	[tilespmem:$0x10400] =	vst v63  }
0x23: {  	s13 =	rddreg [dreg:$0x8]  }
0x24: {  	[tilespmem:s19], [sflag:$0x9] =	stream.linear.gather [hbm4b:s13+s2], $0x100, $0x38;
	[tilespmem:$0x10400] =	vst v63  }
0x25: {  	_ =	swait.ge [sflag:s18], $0x100  }
0x26: {  	[sflag:s18] =	ssyncset.done $0x0  }
0x27: {  	[sflag:s18] =	ssyncadd.s32 $0xFFFFFF00  }
0x28: {  	[tilespmem:s21], [sflag:$0x2] =	stream.indirect.gather [hbm4b:s4+s19], $0x40, s19, s19, $0xb8;
	[tilespmem:$0x10400] =	vst v63  }
0x29: {  	s8 =	rddreg [dreg:$0x9]  }
0x2a: {  	[tilespmem:s22], [sflag:$0x9] =	stream.linear.gather [hbm4b:s8+s2], $0x100, $0x38;
	[tilespmem:$0x10400] =	vst v63  }
0x2b: {  	_ =	swait.ge [sflag:s18], $0x100  }
0x2c: {  	[sflag:s18] =	ssyncset.done $0x0  }
0x2d: {  	[sflag:s18] =	ssyncadd.s32 $0xFFFFFF00  }
0x2e: {  	[tilespmem:s23], [sflag:$0x3] =	stream.indirect.gather [hbm4b:s4+s19], $0x40, s22, s19, $0xb8;
	[tilespmem:$0x10400] =	vst v63  }
0x2f: {  	s9 =	rddreg [dreg:$0xa]  }
0x30: {  	[tilespmem:s24], [sflag:$0x9] =	stream.linear.gather [hbm4b:s9+s2], $0x100, $0x38;
	[tilespmem:$0x10400] =	vst v63  }
0x31: {  	_ =	swait.ge [sflag:s18], $0x100  }
0x32: {  	[sflag:s18] =	ssyncset.done $0x0  }
0x33: {  	[sflag:s18] =	ssyncadd.s32 $0xFFFFFF00  }
0x34: {  	[tilespmem:s25], [sflag:$0x4] =	stream.indirect.gather [hbm4b:s4+s19], $0x40, s24, s19, $0xb8;
	[tilespmem:$0x10400] =	vst v63  }
0x35: {  	_ =	swait.ge [sflag:s26], $0x4000  }
0x36: {  	s8 =	rddreg [dreg:$0x3];
	[sflag:s26] =	ssyncset.done $0x0  }
0x37: {  	[sflag:s26] =	ssyncadd.s32 $0xFFFFC000;
	s8 =	sadd.s32 $0x0, s8  }
0x38: {  	[hbm4b:s8+s2] =	stream.linear.scatter [tilespmem:s20], [sflag:$0x5], $0x4000, $0x38;
	[tilespmem:$0x10400] =	vst v63  }
0x39: {  	_ =	swait.ge [sflag:s28], $0x4000  }
0x3a: {  	s10 =	rddreg [dreg:$0x6];
	[sflag:s28] =	ssyncset.done $0x0  }
0x3b: {  	[sflag:s28] =	ssyncadd.s32 $0xFFFFC000;
	s8 =	sadd.s32 $0x0, s10  }
0x3c: {  	[hbm4b:s8+s2] =	stream.linear.scatter [tilespmem:s21], [sflag:$0x6], $0x4000, $0x38;
	[tilespmem:$0x10400] =	vst v63  }
0x3d: {  	_ =	swait.ge [sflag:s29], $0x4000  }
0x3e: {  	s11 =	rddreg [dreg:$0x5];
	[sflag:s29] =	ssyncset.done $0x0  }
0x3f: {  	[sflag:s29] =	ssyncadd.s32 $0xFFFFC000;
	s8 =	sadd.s32 $0x0, s11  }
0x40: {  	[hbm4b:s8+s2] =	stream.linear.scatter [tilespmem:s23], [sflag:$0x7], $0x4000, $0x38;
	[tilespmem:$0x10400] =	vst v63  }
0x41: {  	_ =	swait.ge [sflag:s30], $0x4000  }
0x42: {  	s12 =	rddreg [dreg:$0x4];
	[sflag:s30] =	ssyncset.done $0x0  }
0x43: {  	[sflag:s30] =	ssyncadd.s32 $0xFFFFC000;
	s8 =	sadd.s32 $0x0, s12  }
0x44: {  	[hbm4b:s8+s2] =	stream.linear.scatter [tilespmem:s25], [sflag:$0x8], $0x4000, $0x38;
	[tilespmem:$0x10400] =	vst v63  }
0x45: {  	_ =	swait.ge [sflag:s31], $0x4000  }
0x46: {  	s13 =	sshrl.u32 s17, $0x3;
	[sflag:s31] =	ssyncset.done $0x0  }
0x47: {  	s8 =	sadd.s32 s3, s13;
	[sflag:s31] =	ssyncadd.s32 $0xFFFFC000  }
0x48: {  	[tilespmem:s2], [sflag:$0x9] =	stream.linear.gather [hbm4b:s8+s2], $0x100, $0x38;
	[tilespmem:$0x10400] =	vst v63  }
0x49: {  	_ =	swait.ge [sflag:s18], $0x100  }
0x4a: {  	[sflag:s18] =	ssyncset.done $0x0  }
0x4b: {  	[sflag:s18] =	ssyncadd.s32 $0xFFFFFF00  }
0x4c: {  	[tilespmem:s20], [sflag:$0x1] =	stream.indirect.gather [hbm4b:s4+s19], $0x40, s2, s19, $0xb8;
	[tilespmem:$0x10400] =	vst v63  }
0x4d: {  	_ =	swait.ge [sflag:s1], $0x4000  }
0x4e: {  	[sflag:s1] =	ssyncset.done $0x0  }
0x4f: {  	[sflag:s1] =	ssyncadd.s32 $0xFFFFC000  }
0x50: {  	[tilespmem:s19], [sflag:$0x9] =	stream.linear.gather [hbm4b:s16+s2], $0x100, $0x38;
	[tilespmem:$0x10400] =	vst v63  }
0x51: {  	_ =	swait.ge [sflag:s18], $0x100  }
0x52: {  	[sflag:s18] =	ssyncset.done $0x0  }
0x53: {  	[sflag:s18] =	ssyncadd.s32 $0xFFFFFF00  }
0x54: {  	[tilespmem:s21], [sflag:$0x2] =	stream.indirect.gather [hbm4b:s4+s19], $0x40, s19, s19, $0xb8;
	[tilespmem:$0x10400] =	vst v63  }
0x55: {  	_ =	swait.ge [sflag:s0], $0x4000  }
0x56: {  	[sflag:s0] =	ssyncset.done $0x0  }
0x57: {  	[sflag:s0] =	ssyncadd.s32 $0xFFFFC000  }
0x58: {  	[tilespmem:s22], [sflag:$0x9] =	stream.linear.gather [hbm4b:s15+s2], $0x100, $0x38;
	[tilespmem:$0x10400] =	vst v63  }
0x59: {  	_ =	swait.ge [sflag:s18], $0x100  }
0x5a: {  	[sflag:s18] =	ssyncset.done $0x0  }
0x5b: {  	[sflag:s18] =	ssyncadd.s32 $0xFFFFFF00  }
0x5c: {  	[tilespmem:s23], [sflag:$0x3] =	stream.indirect.gather [hbm4b:s4+s19], $0x40, s22, s19, $0xb8;
	[tilespmem:$0x10400] =	vst v63  }
0x5d: {  	_ =	swait.ge [sflag:s6], $0x4000  }
0x5e: {  	[sflag:s6] =	ssyncset.done $0x0  }
0x5f: {  	[sflag:s6] =	ssyncadd.s32 $0xFFFFC000  }
0x60: {  	[tilespmem:s24], [sflag:$0x9] =	stream.linear.gather [hbm4b:s14+s2], $0x100, $0x38;
	[tilespmem:$0x10400] =	vst v63  }
0x61: {  	s9 =	sadd.s32 $0x80, s16;
	_ =	swait.ge [sflag:s18], $0x100  }
0x62: {  	s10 =	sadd.s32 $0x400, s17;
	s11 =	sadd.s32 $0x80, s14;
	[sflag:s18] =	ssyncset.done $0x0  }
0x63: {  	s12 =	sadd.s32 $0x80, s15;
	s8 =	simm.s32 $0x2000;
	[sflag:s18] =	ssyncadd.s32 $0xFFFFFF00  }
.LBB2_2:
0x64: {  	[tilespmem:s25], [sflag:$0x4] =	stream.indirect.gather [hbm4b:s4+s19], $0x40, s24, s19, $0xb8;
	[tilespmem:$0x10400] =	vst v63  }
0x65: {  	_ =	swait.ge [sflag:s26], $0x4000  }
0x66: {  	s13 =	smov.u32 s8;
	s5 =	rddreg [dreg:$0x3];
	[sflag:s26] =	ssyncset.done $0x0  }
0x67: {  	[sflag:s26] =	ssyncadd.s32 $0xFFFFC000;
	s5 =	sadd.s32 s13, s5  }
0x68: {  	[hbm4b:s5+s2] =	stream.linear.scatter [tilespmem:s20], [sflag:$0x5], $0x4000, $0x38;
	[tilespmem:$0x10400] =	vst v63  }
0x69: {  	_ =	swait.ge [sflag:s28], $0x4000  }
0x6a: {  	s5 =	rddreg [dreg:$0x6];
	[sflag:s28] =	ssyncset.done $0x0  }
0x6b: {  	[sflag:s28] =	ssyncadd.s32 $0xFFFFC000;
	s5 =	sadd.s32 s13, s5  }
0x6c: {  	[hbm4b:s5+s2] =	stream.linear.scatter [tilespmem:s21], [sflag:$0x6], $0x4000, $0x38;
	[tilespmem:$0x10400] =	vst v63  }
0x6d: {  	_ =	swait.ge [sflag:s29], $0x4000  }
0x6e: {  	s5 =	rddreg [dreg:$0x5];
	[sflag:s29] =	ssyncset.done $0x0  }
0x6f: {  	[sflag:s29] =	ssyncadd.s32 $0xFFFFC000;
	s5 =	sadd.s32 s13, s5  }
0x70: {  	[hbm4b:s5+s2] =	stream.linear.scatter [tilespmem:s23], [sflag:$0x7], $0x4000, $0x38;
	[tilespmem:$0x10400] =	vst v63  }
0x71: {  	_ =	swait.ge [sflag:s30], $0x4000  }
0x72: {  	s5 =	rddreg [dreg:$0x4];
	[sflag:s30] =	ssyncset.done $0x0  }
0x73: {  	[sflag:s30] =	ssyncadd.s32 $0xFFFFC000;
	s5 =	sadd.s32 s13, s5  }
0x74: {  	[hbm4b:s5+s2] =	stream.linear.scatter [tilespmem:s25], [sflag:$0x8], $0x4000, $0x38;
	[tilespmem:$0x10400] =	vst v63  }
0x75: {  	_ =	swait.ge [sflag:s31], $0x4000  }
0x76: {  	s13 =	sshrl.u32 s10, $0x3;
	[sflag:s31] =	ssyncset.done $0x0  }
0x77: {  	s5 =	sadd.s32 s3, s13;
	[sflag:s31] =	ssyncadd.s32 $0xFFFFC000  }
0x78: {  	[tilespmem:s2], [sflag:$0x9] =	stream.linear.gather [hbm4b:s5+s2], $0x100, $0x38;
	[tilespmem:$0x10400] =	vst v63  }
0x79: {  	_ =	swait.ge [sflag:s18], $0x100  }
0x7a: {  	[sflag:s18] =	ssyncset.done $0x0  }
0x7b: {  	[sflag:s18] =	ssyncadd.s32 $0xFFFFFF00  }
0x7c: {  	[tilespmem:s20], [sflag:$0x1] =	stream.indirect.gather [hbm4b:s4+s19], $0x40, s2, s19, $0xb8;
	[tilespmem:$0x10400] =	vst v63  }
0x7d: {  	_ =	swait.ge [sflag:s1], $0x4000  }
0x7e: {  	[sflag:s1] =	ssyncset.done $0x0  }
0x7f: {  	[sflag:s1] =	ssyncadd.s32 $0xFFFFC000  }
0x80: {  	[tilespmem:s19], [sflag:$0x9] =	stream.linear.gather [hbm4b:s9+s2], $0x100, $0x38;
	[tilespmem:$0x10400] =	vst v63  }
0x81: {  	_ =	swait.ge [sflag:s18], $0x100  }
0x82: {  	[sflag:s18] =	ssyncset.done $0x0  }
0x83: {  	[sflag:s18] =	ssyncadd.s32 $0xFFFFFF00  }
0x84: {  	[tilespmem:s21], [sflag:$0x2] =	stream.indirect.gather [hbm4b:s4+s19], $0x40, s19, s19, $0xb8;
	[tilespmem:$0x10400] =	vst v63  }
0x85: {  	_ =	swait.ge [sflag:s0], $0x4000  }
0x86: {  	[sflag:s0] =	ssyncset.done $0x0  }
0x87: {  	[sflag:s0] =	ssyncadd.s32 $0xFFFFC000  }
0x88: {  	[tilespmem:s22], [sflag:$0x9] =	stream.linear.gather [hbm4b:s12+s2], $0x100, $0x38;
	[tilespmem:$0x10400] =	vst v63  }
0x89: {  	_ =	swait.ge [sflag:s18], $0x100  }
0x8a: {  	[sflag:s18] =	ssyncset.done $0x0  }
0x8b: {  	[sflag:s18] =	ssyncadd.s32 $0xFFFFFF00  }
0x8c: {  	[tilespmem:s23], [sflag:$0x3] =	stream.indirect.gather [hbm4b:s4+s19], $0x40, s22, s19, $0xb8;
	[tilespmem:$0x10400] =	vst v63  }
0x8d: {  	_ =	swait.ge [sflag:s6], $0x4000  }
0x8e: {  	p0 =	sne.s32 s8, $0x2E000;
	[sflag:s6] =	ssyncset.done $0x0  }
.Ltmp0:
0x8f: {  	[sflag:s6] =	ssyncadd.s32 $0xFFFFC000;
	(pc) =	sbr.rel @p0 .LBB2_2-.Ltmp0, $4  }
0x90: {  	[tilespmem:s24], [sflag:$0x9] =	stream.linear.gather [hbm4b:s11+s2], $0x100, $0x38;
	[tilespmem:$0x10400] =	vst v63  }
0x91: {  	s8 =	sadd.s32 $0x2000, s8;
	_ =	swait.ge [sflag:s18], $0x100  }
0x92: {  	s10 =	sadd.s32 $0x400, s10;
	s9 =	sadd.s32 $0x80, s9;
	[sflag:s18] =	ssyncset.done $0x0  }
0x93: {  	s12 =	sadd.s32 $0x80, s12;
	s11 =	sadd.s32 $0x80, s11;
	[sflag:s18] =	ssyncadd.s32 $0xFFFFFF00  }
0x94: {  	[tilespmem:s25], [sflag:$0x4] =	stream.indirect.gather [hbm4b:s4+s19], $0x40, s24, s19, $0xb8;
	[tilespmem:$0x10400] =	vst v63  }
0x95: {  	_ =	swait.ge [sflag:s26], $0x4000  }
0x96: {  	[sflag:s26] =	ssyncset.done $0x0  }
0x97: {  	s5 =	rddreg [dreg:$0xb];
	[sflag:s26] =	ssyncadd.s32 $0xFFFFC000  }
0x98: {  	[hbm4b:s5+s2] =	stream.linear.scatter [tilespmem:s20], [sflag:$0x5], $0x4000, $0x38;
	[tilespmem:$0x10400] =	vst v63  }
0x99: {  	_ =	swait.ge [sflag:s28], $0x4000  }
0x9a: {  	[sflag:s28] =	ssyncset.done $0x0  }
0x9b: {  	s10 =	rddreg [dreg:$0xc];
	[sflag:s28] =	ssyncadd.s32 $0xFFFFC000  }
0x9c: {  	[hbm4b:s10+s2] =	stream.linear.scatter [tilespmem:s21], [sflag:$0x6], $0x4000, $0x38;
	[tilespmem:$0x10400] =	vst v63  }
0x9d: {  	_ =	swait.ge [sflag:s29], $0x4000  }
0x9e: {  	[sflag:s29] =	ssyncset.done $0x0  }
0x9f: {  	s11 =	rddreg [dreg:$0xd];
	[sflag:s29] =	ssyncadd.s32 $0xFFFFC000  }
0xa0: {  	[hbm4b:s11+s2] =	stream.linear.scatter [tilespmem:s23], [sflag:$0x7], $0x4000, $0x38;
	[tilespmem:$0x10400] =	vst v63  }
0xa1: {  	_ =	swait.ge [sflag:s30], $0x4000  }
0xa2: {  	[sflag:s30] =	ssyncset.done $0x0  }
0xa3: {  	s12 =	rddreg [dreg:$0xe];
	[sflag:s30] =	ssyncadd.s32 $0xFFFFC000  }
0xa4: {  	[hbm4b:s12+s2] =	stream.linear.scatter [tilespmem:s25], [sflag:$0x8], $0x4000, $0x38;
	[tilespmem:$0x10400] =	vst v63  }
0xa5: {  	_ =	swait.ge [sflag:s31], $0x4000  }
0xa6: {  	[sflag:s31] =	ssyncset.done $0x0  }
0xa7: {  	[sflag:s31] =	ssyncadd.s32 $0xFFFFC000  }
0xa8: {  	_ =	swait.ge [sflag:s1], $0x4000  }
0xa9: {  	[sflag:s1] =	ssyncset.done $0x0  }
0xaa: {  	[sflag:s1] =	ssyncadd.s32 $0xFFFFC000  }
0xab: {  	_ =	swait.ge [sflag:s0], $0x4000  }
0xac: {  	[sflag:s0] =	ssyncset.done $0x0  }
0xad: {  	[sflag:s0] =	ssyncadd.s32 $0xFFFFC000  }
0xae: {  	_ =	swait.ge [sflag:s6], $0x4000  }
0xaf: {  	s7 =	sadd.s32 $0x1, s7;
	s13 =	rddreg [dreg:$0xf]  }
0xb0: {  	p0 =	sne.s32 s7, s13  }
.Ltmp1:
0xb1: {  	_ = 	snop;
	(pc) =	sbr.rel @p0 .LBB2_1-.Ltmp1, $3  }
0xb2: {  	_ =	sdelay $0x1  }
0xb3: {  	[sflag:s6] =	ssyncset.done $0x0  }
0xb4: {  	[sflag:s6] =	ssyncadd.s32 $0xFFFFC000  }
0xb5: {  	_ =	sfence.sel $0x180000  }
0xb6: {  	[bflag:$0x0] =	sbarrier.arrive $0xFFFF  }
0xb7: {  	_ =	strace $0x90000047  }
0xb8: {  	s0 =	stileid.u32;
	[bflag:$0x2] =	sbarrier.arrive $0xFFFF  }
0xb9: {  	p0 =	sne.s32 s0, $0x0;
	s0 =	rddreg [dreg:$0x2]  }
0xba: {  	s0 =	sadd.s32 @!p0 $0x100000, s0  }
0xbb: {  	[sflag:s0] =	ssyncadd.tile.s32 @!p0 $0x1;
	_ =	shalt  }
.Lfunc_end2:
_tile_overlayer_lowered:
.L_overlay_start_2:
0xbc: {  	(tag) =	ssettag $0x2  }
0xbd: {  	s0 =	rddreg [dreg:$0x0];
	s2 =	stileid.u32  }
0xbe: {  	s1 =	rddreg [dreg:$0x1];
	p0 =	sne.s32 s2, $0x0  }
0xbf: {  	s3 =	rddreg [dreg:$0x2];
	[bflag:$0x3] =	sbarrier.arrive $0xFFFF;
	s2 =	simm.s32 @!p0 $0x1C09  }
0xc0: {  	[timem:s3], [sflag:s2] =	dma.local @!p0 [hbm:s0], s1  }
0xc1: {  	s0 =	simm.s32 @!p0 $0x9  }
0xc2: {  	_ =	swait.ge @!p0 [sflag:s0], s1  }
0xc3: {  	s1 =	ssub.s32 @!p0 $0x0, s1;
	[sflag:s0] =	ssyncset.done @!p0 $0x0  }
0xc4: {  	[sflag:s0] =	ssyncadd.s32 @!p0 s1  }
0xc5: {  	[bflag:$0x3] =	sbarrier.arrive $0xFFFF  }
0xc6: {  	_ =	shalt  }

// kernel: sparse-core-data-format-call.cloned.1.call-start
scs
called_computation_lowered:
.L_overlay_start_0:
0x0: {  	s2 =	sld [smem:$0x3FD9]  }
0x1: {  	s3 =	sld [smem:$0x3FFE];
	_ =	sdelay $0x1  }
0x2: {  	s1 =	srdreg.scid  }
0x3: {  	s0 =	sand.u32 $0x1, s1  }
0x4: {  	s18 =	sshll.u32 s0, $0xA;
	s2 =	sadd.s32 s3, s2  }
0x5: {  	s2 =	sadd.s32 s2, s18  }
0x6: {  	[smem:$0x3FC6] =	sst s2  }
0x7: {  	_ = 	snop  }
0x8: {  	s2 =	sld [smem:$0x3FD0];
	(tm) =	ssettm $0x1  }
0x9: {  	s19 =	sld [smem:$0x3FFB];
	_ =	sdelay $0x3  }
0xa: {  	_ =	strace s19  }
0xb: {  	s3 =	sld [smem:$0x3FFC];
	_ =	sdelay $0x3  }
0xc: {  	_ =	strace s3  }
0xd: {  	s3 =	sld [smem:$0x3FFD];
	_ =	sdelay $0x3  }
0xe: {  	_ =	strace s3  }
0xf: {  	_ =	strace $0x8FFFFFFF  }
0x10: {  	s20 =	sld [smem:$0x3FDB];
	_ =	sdelay $0x1  }
0x11: {  	s4 =	simm.s32 $_scs_section_size  }
0x12: {  	s5 =	simm.s32 $_size__tile_overlayer_lowered;
	s6 =	simm.s32 $_tile_overlayer_lowered  }
0x13: {  	s23 =	simm.s32 $0x1BFF;
	s22 =	sshll.u32 s6, $0x1;
	s3 =	sadd.s32 s4, s20  }
0x14: {  	s7 =	simm.s32 $0x0;
	s21 =	sshll.u32 s5, $0x1;
	s5 =	sadd.s32 s22, s3  }
0x15: {  	[timem:s7], [sflag:s23] =	dma.local [hbm:s5], s21  }
0x16: {  	_ =	swait.ge [sflag:s23], s21  }
0x17: {  	s4 =	ssub.s32 $0x0, s21;
	[sflag:s23] =	ssyncset.done $0x0  }
0x18: {  	[sflag:s23] =	ssyncadd.s32 s4;
	_ =	sdelay $0x1  }
0x19: {  	s24 =	simm.s32 $0x1B8B  }
0x1a: {  	_ =	swait.ge [sflag:s24], $0x1  }
0x1b: {  	[sflag:s24] =	ssyncset.done $0x0  }
0x1c: {  	s26 =	simm.s32 $0x1B8E;
	s25 =	sld [smem:$0x3FFE];
	[sflag:s24] =	ssyncadd.s32 $0xFFFFFFFF  }
0x1d: {  	s27 =	simm.s32 $execute0_lowered;
	[smem:$0x3FD2] =	sst s26  }
0x1e: {  	s5 =	sshll.u32 s27, $0x1;
	_ =	strace $0x80000049;
	[dreg:$0x1] =	wrdreg $0xFFFFFFFF  }
0x1f: {  	s28 =	simm.s32 $_size_execute0_lowered;
	s3 =	sadd.s32 s3, s5;
	[dreg:$0x0] =	wrdreg $0x0  }
0x20: {  	s5 =	sshll.u32 s28, $0x1;
	[dreg:$0x2] =	wrdreg s3  }
0x21: {  	[dreg:$0x3] =	wrdreg s5  }
0x22: {  	[dreg:$0x4] =	wrdreg $0xC0  }
0x23: {  	_ =	task [dreg:s7], $0x5FFFF  }
0x24: {  	[dreg:$0x1] =	wrdreg $0xFFFFFFFF  }
0x25: {  	[dreg:$0x0] =	wrdreg $0x60  }
0x26: {  	[dreg:$0x2] =	wrdreg s25  }
0x27: {  	[dreg:$0x3] =	wrdreg s2  }
0x28: {  	[dreg:$0x4] =	wrdreg $0x9  }
0x29: {  	_ =	task.clear_ibuf [dreg:s7], $0x5FFFF;
	_ =	strace $0x90000049  }
0x2a: {  	s29 =	simm.s32 $0x9;
	_ =	strace $0x8000004B  }
0x2b: {  	_ =	swait.ge [sflag:s29], $0x1  }
0x2c: {  	[sflag:s29] =	ssyncadd.s32 $0xFFFFFFFF  }
0x2d: {  	_ =	strace $0x9000004B  }
0x2e: {  	_ =	sfence  }
0x2f: {  	s30 =	sld [smem:$0x0];
	_ =	sdelay $0x2  }
0x30: {  	s31 =	sshll.u32 s1, $0xD;
	s1 =	sshrl.u32 s1, $0x2  }
0x31: {  	s3 =	sand.u32 $0x4000, s31;
	s1 =	sadd.s32 s1, s30  }
0x32: {  	s0 =	sor.u32 s3, s0;
	s1 =	sshll.u32 s1, $0x11  }
0x33: {  	s0 =	sor.u32 s1, s0  }
0x34: {  	s0 =	sadd.s32 $0x8F2B, s0  }
0x35: {  	[sflag:s0] =	ssyncadd.remote.s32 $0x1  }
0x36: {  	_ =	sfence.sel $0xFFFF  }
0x37: {  	[dreg:$0x0] =	wrdreg $0xFFFFFFFF;
	(pc) =	sbr.abs _section_cstart, $3  }
0x38: {  	[dreg:$0x1] =	wrdreg $0xFFFFFFFF  }
0x39: {  	_ =	task.clear_ibuf [dreg:s7], $0x2FFFF;
	_ =	strace $0x9FFFFFFF  }
0x3a: {  	(tm) =	ssettm $0x7FFFFFFF  }
0x3b: {  	_ =	shalt  }
tec
execute0_lowered:
.L_overlay_start_1:
0x0: {  	(tag) =	ssettag $0x1  }
0x1: {  	s0 =	srdreg.scid  }
0x2: {  	s1 =	sshll.u32 s0, $0x4  }
0x3: {  	s0 =	stileid.u32;
	s1 =	sand.u32 $0x10, s1  }
0x4: {  	s1 =	sor.u32 s0, s1  }
0x5: {  	s6 =	rddreg [dreg:$0x0];
	s4 =	simm.s32 $0x1;
	s2 =	sshll.u32 s1, $0x7  }
0x6: {  	s7 =	simm.s32 $0x2;
	s12 =	simm.s32 $0x0;
	s1 =	ssub.s32 $0x1000, s2  }
0x7: {  	s8 =	simm.s32 $0x8000;
	s13 =	simm.s32 $0x0;
	s3 =	sand.u32 $0xF80, s1  }
0x8: {  	s9 =	simm.s32 $0x0;
	s5 =	sshrl.u32 s1, $0xC;
	p0 =	sne.s32 s3, $0x0  }
.Ltmp0:
0x9: {  	s1 =	rddreg [dreg:$0x2];
	s4 =	simm.s32 @!p0 $0x0;
	(pc) =	sbr.rel .LBB1_1-.Ltmp0, $4  }
0xa: {  	s11 =	simm.s32 $0x0;
	s3 =	rddreg [dreg:$0x1];
	s5 =	sadd.s32 s4, s5  }
0xb: {  	_ =	strace $0x8000004A;
	s4 =	simm.s32 $0x1;
	s5 =	smul.u32 $0xC8, s5  }
0xc: {  	s6 =	sadd.s32 $0x800, s6;
	s10 =	smov.u32 s2;
	[sflag:s4] =	ssyncpa.u1 $0x0  }
0xd: {  	p0 =	por $0x0, $0x0;
	[sflag:s7] =	ssyncpa.u1 $0x0;
	s7 =	sor.u32 $0x1, s5  }
.LBB1_4:
0xe: {  	s16 =	sshll.u32 s13, $0x3;
	s17 =	sand.u32 $0x78, s13  }
0xf: {  	s30 =	sand.u32 $0x7E00, s13;
	s12 =	sshll.u32 s12, $0xF;
	s16 =	sand.u32 $0xC00, s16  }
0x10: {  	[tilespmem:s15+$0x810 ss:$0x81] =	vst.msk $0xffff, v2;
	s31 =	sand.u32 $0x7, s13;
	s16 =	sor.u32 s17, s16;
	s17 =	sadd.s32 s3, s30  }
0x11: {  	[tilespmem:s15+$0x1020 ss:$0x81] =	vst.msk $0xffff, v0;
	s13 =	sshll.u32 s31, $0x12;
	s12 =	sadd.s32 s12, s17;
	s16 =	sshrl.u32 s16, $0x3  }
0x12: {  	[tilespmem:s15+$0x0 ss:$0x81] =	vst.msk $0xffff, v1;
	s13 =	sor.u32 $0x400, s13;
	s12 =	sadd.s32 s16, s12  }
0x13: {  	[hbm4b:s12+s13] =	stream.strided.scatter [tilespmem:s14], [sflag:$0x2], $0x2000, s8, s13, $0x20;
	[tilespmem:$0x8080] =	vst v63  }
.LBB1_5:
0x14: {  	s14 =	sadd.s32 $0x1, s9  }
0x15: {  	s12 =	sadd.s32 $0x1000, s10;
	s16 =	smov.u32 s10;
	p2 =	sgt.s32 s14, $0xC7  }
0x16: {  	s16 =	smov.u32 @p2 s12  }
0x17: {  	s14 =	simm.s32 @p2 $0x0;
	p2 =	sgt.s32 s16, $0xFFF  }
0x18: {  	s16 =	smov.u32 @p2 s2;
	p2 =	sne.s32 s11, s7  }
.Ltmp1:
0x19: {  	p1 =	slt.u32 s11, $0x2;
	(pc) =	sbr.rel @!p2 .LBB1_6-.Ltmp1, $4  }
0x1a: {  	s15 =	simm.s32 @!p1 $0x2  }
0x1b: {  	s13 =	smov.u32 s10;
	p0 =	por !p0, !p0;
	_ =	swait.ge @!p1 [sflag:s15], $0x2000  }
0x1c: {  	s12 =	smov.u32 s9;
	[sflag:s15] =	ssyncset.done @!p1 $0x0;
	s9 =	smov.u32 s14  }
0x1d: {  	s11 =	sadd.s32 $0x1, s11;
	[sflag:s15] =	ssyncadd.s32 @!p1 $0xFFFFE000;
	s10 =	smov.u32 s16  }
.LBB1_1:
0x1e: {  	p1 =	sge.u32 s11, s5  }
0x1f: {  	s14 =	sand.u32 @!p1 $0x1FFFFFF, s9  }
0x20: {  	s15 =	smulhi.u32 @!p1 $0x147AE15, s14;
	_ =	sdelay $0x1  }
0x21: {  	s15 =	smul.u32 @!p1 $0xC8, s15  }
0x22: {  	s16 =	sxor.u32 @!p1 $0xFFFFFFFF, s11;
	s17 =	smul.u32 @!p1 $0xC80, s10  }
0x23: {  	s31 =	sadd.s32 $0xFFFFFFFF, s11;
	s16 =	sshll.u32 @!p1 s16, $0xD;
	s14 =	ssub.s32 @!p1 s14, s15  }
0x24: {  	s15 =	sand.u32 @!p1 $0x2000, s16;
	s16 =	sadd.s32 @!p1 s6, s17;
	s14 =	sshll.u32 @!p1 s14, $0x4  }
0x25: {  	s17 =	simm.s32 @!p1 $0x6400;
	s14 =	sadd.s32 @!p1 s14, s16;
	s16 =	simm.s32 @!p1 $0x40  }
0x26: {  	[tilespmem:s15], [sflag:$0x1] =	stream.strided.gather @!p1 [hbm4b:s14+s16], $0x2000, s17, s16, $0x38;
	[tilespmem:$0x8080] =	vst v63  }
0x27: {  	p1 =	sge.u32 s31, s5  }
.Ltmp2:
0x28: {  	_ = 	snop;
	(pc) =	sbr.rel @p1 .LBB1_5-.Ltmp2, $1  }
0x29: {  	_ =	sdelay $0x3  }
0x2a: {  	s14 =	simm.s32 $0x1  }
0x2b: {  	_ =	swait.ge [sflag:s4], $0x2000;
	s14 =	simm.s32 @!p0 $0x0  }
0x2c: {  	[sflag:s4] =	ssyncset.done $0x0;
	s15 =	sshll.u32 s14, $0xD  }
0x2d: {  	[sflag:s4] =	ssyncadd.s32 $0xFFFFE000;
	s18 =	sor.u32 $0x20, s15  }
0x2e: {  	s14 =	smul.u32 $0x8100, s14;
	v3 =	vld [tilespmem:s18+$0x10]  }
0x2f: {  	s30 =	sand.u32 $0x1, s11;
	v2 =	vld [tilespmem:s18+$0xFFFFFFF0]  }
0x30: {  	s15 =	smul.u32 $0x8100, s30;
	s14 =	sshrl.u32 s14, $0x2;
	v0 =	vld [tilespmem:s18+$0x0]  }
0x31: {  	v1 =	vld [tilespmem:s18+$0xFFFFFFE0];
	s16 =	sor.u32 $0x4000, s14  }
0x32: {  	s31 =	sshrl.u32 s15, $0x2;
	s15 =	sadd.s32 $0x0, s16  }
0x33: {  	s17 =	simm.s32 $0x4;
	s18 =	sadd.s32 $0x40, s18;
	s14 =	sor.u32 $0x4000, s31;
	[tilespmem:s15+$0x1830 ss:$0x81] =	vst.msk $0xffff, v3  }
.LBB1_3:
0x34: {  	v3 =	vld [tilespmem:s18+$0x10];
	p1 =	sne.s32 s17, $0x1FC;
	[tilespmem:s15+$0x810 ss:$0x81] =	vst.msk $0xffff, v2;
	s19 =	smov.u32 s17;
	s17 =	sadd.s32 $0x4, s17  }
.Ltmp3:
0x35: {  	v2 =	vld [tilespmem:s18+$0xFFFFFFF0];
	[tilespmem:s15+$0x1020 ss:$0x81] =	vst.msk $0xffff, v0;
	(pc) =	sbr.rel @p1 .LBB1_3-.Ltmp3, $4  }
0x36: {  	v0 =	vld [tilespmem:s18+$0x0];
	[tilespmem:s15+$0x0 ss:$0x81] =	vst.msk $0xffff, v1  }
0x37: {  	s15 =	sshra.s32 s19, $0x2;
	v1 =	vld [tilespmem:s18+$0xFFFFFFE0]  }
0x38: {  	s15 =	sadd.s32 s15, s16  }
0x39: {  	s18 =	sadd.s32 $0x40, s18;
	[tilespmem:s15+$0x1830 ss:$0x81] =	vst.msk $0xffff, v3  }
.Ltmp4:
0x3a: {  	_ = 	snop;
	(pc) =	sbr.rel .LBB1_4-.Ltmp4, $1  }
0x3b: {  	_ =	sdelay $0x3  }
.LBB1_6:
0x3c: {  	_ =	sfence.sel $0x180000  }
0x3d: {  	s2 =	simm.s32 $0x1;
	[bflag:$0x0] =	sbarrier.arrive $0xFFFF  }
0x3e: {  	s31 =	simm.s32 $0x2;
	[sflag:s2] =	ssyncpa.u1 $0x1  }
0x3f: {  	[sflag:s31] =	ssyncpa.u1 $0x1  }
0x40: {  	p0 =	sne.s32 s0, $0x0;
	_ =	strace $0x9000004A  }
0x41: {  	s0 =	sadd.s32 @!p0 $0x100000, s1;
	[bflag:$0x2] =	sbarrier.arrive $0xFFFF  }
0x42: {  	[sflag:s0] =	ssyncadd.tile.s32 @!p0 $0x1;
	_ =	shalt  }
.Lfunc_end1:
_tile_overlayer_lowered:
.L_overlay_start_2:
0x43: {  	(tag) =	ssettag $0x2  }
0x44: {  	s0 =	rddreg [dreg:$0x0];
	s2 =	stileid.u32  }
0x45: {  	s1 =	rddreg [dreg:$0x1];
	p0 =	sne.s32 s2, $0x0  }
0x46: {  	s3 =	rddreg [dreg:$0x2];
	[bflag:$0x3] =	sbarrier.arrive $0xFFFF;
	s2 =	simm.s32 @!p0 $0x1C01  }
0x47: {  	[timem:s3], [sflag:s2] =	dma.local @!p0 [hbm:s0], s1  }
0x48: {  	s0 =	simm.s32 @!p0 $0x1  }
0x49: {  	_ =	swait.ge @!p0 [sflag:s0], s1  }
0x4a: {  	s1 =	ssub.s32 @!p0 $0x0, s1;
	[sflag:s0] =	ssyncset.done @!p0 $0x0  }
0x4b: {  	[sflag:s0] =	ssyncadd.s32 @!p0 s1  }
0x4c: {  	[bflag:$0x3] =	sbarrier.arrive $0xFFFF  }
0x4d: {  	_ =	shalt  }

</sc_bundles>
